<compile_context>
chip_gen: v7x
topology: tpu7x:2x2x1
jax: 0.10.2.dev20260603
libtpu: 0.0.44.dev20260713+nightly
codegen_flags: <defaults>
</compile_context>

<pallas_src>
import functools

import jax
import jax.numpy as jnp
from jax import lax
from jax.experimental import pallas as pl
from jax.experimental.pallas import tpu as pltpu
from jax.experimental.pallas import tpu_sc as plsc

_NUM_FIELDS = 26
_VOCAB = 100000
_HIDDEN = 32
_L = 16
_NC = 2
_NS = 16
_BC = 4096
_U = 8


@functools.cache
def _build(batch):
  nbc = batch // _BC

  mesh = plsc.VectorSubcoreMesh(
      core_axis_name="c", subcore_axis_name="s",
      num_cores=_NC, num_subcores=_NS)

  @functools.partial(
      pl.kernel,
      out_type=jax.ShapeDtypeStruct((_HIDDEN, batch), jnp.float32),
      mesh=mesh,
      compiler_params=pltpu.CompilerParams(
          use_tc_tiling_on_sc=True, needs_layout_passes=False),
      scratch_types=[
          pltpu.VMEM((_VOCAB,), jnp.float32),
          pltpu.VMEM((_BC,), jnp.int32),
          pltpu.VMEM((_BC,), jnp.int32),
          pltpu.VMEM((batch,), jnp.float32),
          pltpu.SemaphoreType.DMA,
          pltpu.SemaphoreType.DMA,
      ],
  )
  def enc(tt_hbm, xt_hbm, out_hbm, rowbuf, xc0, xc1, outcol, sx0, sx1):
    c = lax.axis_index("c")
    s = lax.axis_index("s")
    h = s * _NC + c

    def xcopy(f, cidx):
      buf, sem = (xc0, sx0) if cidx % 2 == 0 else (xc1, sx1)
      return pltpu.make_async_copy(
          xt_hbm.at[f, pl.ds(cidx * _BC, _BC)], buf, sem)

    def field(f, first):
      xcopy(f, 0).start()
      pltpu.sync_copy(tt_hbm.at[f, h, :], rowbuf)
      for cidx in range(nbc):
        xcopy(f, cidx).wait()
        if cidx + 1 < nbc:
          xcopy(f, cidx + 1).start()

        xbuf = xc0 if cidx % 2 == 0 else xc1

        @plsc.parallel_loop(0, _BC // _L, unroll=_U)
        def _(k):
          o = k * _L
          v = xbuf[pl.ds(o, _L)]
          g = plsc.load_gather(rowbuf, [v])
          if first:
            outcol[pl.ds(cidx * _BC + o, _L)] = g
          else:
            plsc.addupdate(outcol.at[pl.ds(cidx * _BC + o, _L)], g)

    field(0, True)

    def fbody(f, carry):
      field(f, False)
      return carry

    lax.fori_loop(1, _NUM_FIELDS, fbody, 0)

    pltpu.sync_copy(outcol, out_hbm.at[h, :])

  return enc


@jax.jit
def kernel(x, tables):
  tt = jnp.transpose(tables, (0, 2, 1))
  xt = x.astype(jnp.int32).T
  out_t = _build(x.shape[0])(tt, xt)
  return out_t.T

# --- scband reference (transcript-rebuilt; emitter-appended) ---
"""Pipeline reference for scband-node-encoder-12137577579203 (READ-ONLY COPY).

The authoritative reference and input builder live on the scoring server;
editing this copy changes nothing except your own understanding.
"""

import jax, jax.numpy as jnp
import numpy as np

NUM_FIELDS = 26
VOCAB = 100000
HIDDEN = 32
BATCH = 16384

def setup_inputs(seed: int = 0) -> dict:
    key = jax.random.key(seed)
    k_idx, k_tab = jax.random.split(key)
    x = jax.random.randint(k_idx, (BATCH, NUM_FIELDS), 0, VOCAB, dtype=jnp.int64)
    # Stacked embedding tables: one [VOCAB, HIDDEN] table per field.
    tables = jax.random.normal(k_tab, (NUM_FIELDS, VOCAB, HIDDEN), dtype=jnp.float32) * 0.02
    return {"x": x, "tables": tables}

def reference(x, tables):
    # Faithful translation of NodeEncoder.forward: sum of per-field embedding lookups.
    if x.ndim == 1:
        x = x[:, None]
    out = jnp.zeros((x.shape[0], tables.shape[-1]), dtype=tables.dtype)
    for i in range(x.shape[1]):
        out = out + jnp.take(tables[i], x[:, i], axis=0)
    return out

if __name__ == "__main__":
    import jax
    _d = setup_inputs()
    print(jax.jit(kernel)(*tuple(_d.values())))

</pallas_src>

<mosaic_0001>
#map = affine_map<(d0, d1) -> (0, 0, 0)>
#map1 = affine_map<(d0, d1) -> (0, 0)>
module attributes {stable_mosaic.version = 14 : i64} {
  func.func @enc(%arg0: i32, %arg1: i32, %arg2: memref<26x32x100000xf32, #tpu.memory_space<hbm>>, %arg3: memref<26x16384xi32, #tpu.memory_space<hbm>>, %arg4: memref<32x16384xf32, #tpu.memory_space<hbm>>, %arg5: memref<100000xf32, #tpu.memory_space<vmem>>, %arg6: memref<4096xi32, #tpu.memory_space<vmem>>, %arg7: memref<4096xi32, #tpu.memory_space<vmem>>, %arg8: memref<16384xf32, #tpu.memory_space<vmem>>, %arg9: memref<!tpu.dma_semaphore, #tpu.memory_space<semaphore_mem>>, %arg10: memref<!tpu.dma_semaphore, #tpu.memory_space<semaphore_mem>>) attributes {dimension_semantics = [#tpu.dimension_semantics<core_parallel>, #tpu.dimension_semantics<subcore_parallel>], iteration_bounds = array<i64: 2, 16>, scalar_prefetch = 0 : i64, scratch_operands = 6 : i64, tpu.core_type = #tpu.core_type<sc_vector_subcore>, window_params = [{transform_indices = #map}, {transform_indices = #map1}, {transform_indices = #map1}]} {
    %mul3A = arith.constant 2 : i32
    %mul3A_0 = arith.muli %arg1, %mul3A : i32
    %add3A = arith.addi %mul3A_0, %arg0 : i32
    %dma_start3A = arith.constant 0 : i32
    %dma_start3A_1 = arith.constant 0 : i32
    %dma_start3A_2 = tpu.memref_slice %arg3[%dma_start3A, %dma_start3A_1] : memref<26x16384xi32, #tpu.memory_space<hbm>> -> memref<1x4096xi32, #tpu.memory_space<hbm>>
    %dma_start3A_3 = tpu.memref_squeeze %dma_start3A_2 : memref<1x4096xi32, #tpu.memory_space<hbm>> -> memref<4096xi32, #tpu.memory_space<hbm>>
    %dma_start3A_4 = arith.constant 0 : i32
    %dma_start3A_5 = tpu.memref_slice %arg3[%dma_start3A, %dma_start3A_4] : memref<26x16384xi32, #tpu.memory_space<hbm>> -> memref<1x4096xi32, #tpu.memory_space<hbm>>
    %dma_start3A_6 = tpu.memref_squeeze %dma_start3A_5 : memref<1x4096xi32, #tpu.memory_space<hbm>> -> memref<4096xi32, #tpu.memory_space<hbm>>
    tpu.enqueue_dma source(%dma_start3A_6 : memref<4096xi32, #tpu.memory_space<hbm>>) target(%arg6 : memref<4096xi32, #tpu.memory_space<vmem>>) target_semaphore(%arg9 : memref<!tpu.dma_semaphore, #tpu.memory_space<semaphore_mem>>)
    %run_scoped3A = arith.constant 0 : i32
    "tpu.region"() ({
      %run_scoped3A_71 = tpu.sem_alloc : memref<!tpu.dma_semaphore, #tpu.memory_space<semaphore_mem>>
      %dma_start3A_72 = arith.constant 0 : i32
      %dma_start3A_73 = tpu.memref_slice %arg2[%run_scoped3A, %add3A, %dma_start3A_72] : memref<26x32x100000xf32, #tpu.memory_space<hbm>> -> memref<1x1x100000xf32, #tpu.memory_space<hbm>>
      %dma_start3A_74 = tpu.memref_squeeze %dma_start3A_73 : memref<1x1x100000xf32, #tpu.memory_space<hbm>> -> memref<100000xf32, #tpu.memory_space<hbm>>
      %dma_start3A_75 = arith.constant 0 : i32
      %dma_start3A_76 = tpu.memref_slice %arg2[%run_scoped3A, %add3A, %dma_start3A_75] : memref<26x32x100000xf32, #tpu.memory_space<hbm>> -> memref<1x1x100000xf32, #tpu.memory_space<hbm>>
      %dma_start3A_77 = tpu.memref_squeeze %dma_start3A_76 : memref<1x1x100000xf32, #tpu.memory_space<hbm>> -> memref<100000xf32, #tpu.memory_space<hbm>>
      tpu.enqueue_dma source(%dma_start3A_77 : memref<100000xf32, #tpu.memory_space<hbm>>) target(%arg5 : memref<100000xf32, #tpu.memory_space<vmem>>) target_semaphore(%run_scoped3A_71 : memref<!tpu.dma_semaphore, #tpu.memory_space<semaphore_mem>>)
      %dma_wait3A_78 = arith.constant 0 : i32
      %dma_wait3A_79 = tpu.memref_slice %arg2[%run_scoped3A, %add3A, %dma_wait3A_78] : memref<26x32x100000xf32, #tpu.memory_space<hbm>> -> memref<1x1x100000xf32, #tpu.memory_space<hbm>>
      %dma_wait3A_80 = tpu.memref_squeeze %dma_wait3A_79 : memref<1x1x100000xf32, #tpu.memory_space<hbm>> -> memref<100000xf32, #tpu.memory_space<hbm>>
      %dma_wait3A_81 = arith.constant 0 : i32
      %dma_wait3A_82 = tpu.memref_slice %arg2[%run_scoped3A, %add3A, %dma_wait3A_81] : memref<26x32x100000xf32, #tpu.memory_space<hbm>> -> memref<1x1x100000xf32, #tpu.memory_space<hbm>>
      %dma_wait3A_83 = tpu.memref_squeeze %dma_wait3A_82 : memref<1x1x100000xf32, #tpu.memory_space<hbm>> -> memref<100000xf32, #tpu.memory_space<hbm>>
      tpu.wait_dma2 semaphore(%run_scoped3A_71 : memref<!tpu.dma_semaphore, #tpu.memory_space<semaphore_mem>>) src(%dma_wait3A_83 : memref<100000xf32, #tpu.memory_space<hbm>>) dst(%arg5 : memref<100000xf32, #tpu.memory_space<vmem>>)
      tpu.yield
    }) : () -> ()
    %dma_wait3A = arith.constant 0 : i32
    %dma_wait3A_7 = arith.constant 0 : i32
    %dma_wait3A_8 = tpu.memref_slice %arg3[%dma_wait3A, %dma_wait3A_7] : memref<26x16384xi32, #tpu.memory_space<hbm>> -> memref<1x4096xi32, #tpu.memory_space<hbm>>
    %dma_wait3A_9 = tpu.memref_squeeze %dma_wait3A_8 : memref<1x4096xi32, #tpu.memory_space<hbm>> -> memref<4096xi32, #tpu.memory_space<hbm>>
    %dma_wait3A_10 = arith.constant 0 : i32
    %dma_wait3A_11 = tpu.memref_slice %arg3[%dma_wait3A, %dma_wait3A_10] : memref<26x16384xi32, #tpu.memory_space<hbm>> -> memref<1x4096xi32, #tpu.memory_space<hbm>>
    %dma_wait3A_12 = tpu.memref_squeeze %dma_wait3A_11 : memref<1x4096xi32, #tpu.memory_space<hbm>> -> memref<4096xi32, #tpu.memory_space<hbm>>
    tpu.wait_dma2 semaphore(%arg9 : memref<!tpu.dma_semaphore, #tpu.memory_space<semaphore_mem>>) src(%dma_wait3A_12 : memref<4096xi32, #tpu.memory_space<hbm>>) dst(%arg6 : memref<4096xi32, #tpu.memory_space<vmem>>)
    %dma_start3A_13 = arith.constant 0 : i32
    %dma_start3A_14 = arith.constant 4096 : i32
    %dma_start3A_15 = tpu.memref_slice %arg3[%dma_start3A_13, %dma_start3A_14] : memref<26x16384xi32, #tpu.memory_space<hbm>> -> memref<1x4096xi32, #tpu.memory_space<hbm>>
    %dma_start3A_16 = tpu.memref_squeeze %dma_start3A_15 : memref<1x4096xi32, #tpu.memory_space<hbm>> -> memref<4096xi32, #tpu.memory_space<hbm>>
    %dma_start3A_17 = arith.constant 4096 : i32
    %dma_start3A_18 = tpu.memref_slice %arg3[%dma_start3A_13, %dma_start3A_17] : memref<26x16384xi32, #tpu.memory_space<hbm>> -> memref<1x4096xi32, #tpu.memory_space<hbm>>
    %dma_start3A_19 = tpu.memref_squeeze %dma_start3A_18 : memref<1x4096xi32, #tpu.memory_space<hbm>> -> memref<4096xi32, #tpu.memory_space<hbm>>
    tpu.enqueue_dma source(%dma_start3A_19 : memref<4096xi32, #tpu.memory_space<hbm>>) target(%arg7 : memref<4096xi32, #tpu.memory_space<vmem>>) target_semaphore(%arg10 : memref<!tpu.dma_semaphore, #tpu.memory_space<semaphore_mem>>)
    %parallel_loop3A = arith.constant 0 : i32
    %parallel_loop3A_20 = arith.constant 256 : i32
    %parallel_loop3A_21 = arith.constant 1 : i32
    scf.for %parallel_loop3A_71 = %parallel_loop3A to %parallel_loop3A_20 step %parallel_loop3A_21  : i32 {
      %parallel_loop3A_72 = arith.constant 16 : i32
      %parallel_loop3A_73 = arith.muli %parallel_loop3A_71, %parallel_loop3A_72 : i32
      %parallel_loop3A_74 = arith.index_cast %parallel_loop3A_73 : i32 to index
      %parallel_loop3A_75 = tpu.vector_load %arg6[%parallel_loop3A_74] {strides = array<i32>} : memref<4096xi32, #tpu.memory_space<vmem>>, vector<16xi32>,
      %parallel_loop3A_76 = tpu.vector_load_idx %arg5[%parallel_loop3A_75] : memref<100000xf32, #tpu.memory_space<vmem>>[vector<16xi32>], vector<16xf32>,
      %parallel_loop3A_77 = arith.constant 0 : i32
      %parallel_loop3A_78 = arith.addi %parallel_loop3A_77, %parallel_loop3A_73 : i32
      %parallel_loop3A_79 = arith.index_cast %parallel_loop3A_78 : i32 to index
      %parallel_loop3A_80 = tpu.vector_load %arg8[%parallel_loop3A_79] {strides = array<i32>} : memref<16384xf32, #tpu.memory_space<vmem>>, vector<16xf32>,
      tpu.vector_store %arg8[%parallel_loop3A_79], %parallel_loop3A_76 {strides = array<i32>} : memref<16384xf32, #tpu.memory_space<vmem>>, vector<16xf32>,
    } {sc.loop_unroll_factor = 8 : i64, sc.parallel_access}
    %dma_wait3A_22 = arith.constant 0 : i32
    %dma_wait3A_23 = arith.constant 4096 : i32
    %dma_wait3A_24 = tpu.memref_slice %arg3[%dma_wait3A_22, %dma_wait3A_23] : memref<26x16384xi32, #tpu.memory_space<hbm>> -> memref<1x4096xi32, #tpu.memory_space<hbm>>
    %dma_wait3A_25 = tpu.memref_squeeze %dma_wait3A_24 : memref<1x4096xi32, #tpu.memory_space<hbm>> -> memref<4096xi32, #tpu.memory_space<hbm>>
    %dma_wait3A_26 = arith.constant 4096 : i32
    %dma_wait3A_27 = tpu.memref_slice %arg3[%dma_wait3A_22, %dma_wait3A_26] : memref<26x16384xi32, #tpu.memory_space<hbm>> -> memref<1x4096xi32, #tpu.memory_space<hbm>>
    %dma_wait3A_28 = tpu.memref_squeeze %dma_wait3A_27 : memref<1x4096xi32, #tpu.memory_space<hbm>> -> memref<4096xi32, #tpu.memory_space<hbm>>
    tpu.wait_dma2 semaphore(%arg10 : memref<!tpu.dma_semaphore, #tpu.memory_space<semaphore_mem>>) src(%dma_wait3A_28 : memref<4096xi32, #tpu.memory_space<hbm>>) dst(%arg7 : memref<4096xi32, #tpu.memory_space<vmem>>)
    %dma_start3A_29 = arith.constant 0 : i32
    %dma_start3A_30 = arith.constant 8192 : i32
    %dma_start3A_31 = tpu.memref_slice %arg3[%dma_start3A_29, %dma_start3A_30] : memref<26x16384xi32, #tpu.memory_space<hbm>> -> memref<1x4096xi32, #tpu.memory_space<hbm>>
    %dma_start3A_32 = tpu.memref_squeeze %dma_start3A_31 : memref<1x4096xi32, #tpu.memory_space<hbm>> -> memref<4096xi32, #tpu.memory_space<hbm>>
    %dma_start3A_33 = arith.constant 8192 : i32
    %dma_start3A_34 = tpu.memref_slice %arg3[%dma_start3A_29, %dma_start3A_33] : memref<26x16384xi32, #tpu.memory_space<hbm>> -> memref<1x4096xi32, #tpu.memory_space<hbm>>
    %dma_start3A_35 = tpu.memref_squeeze %dma_start3A_34 : memref<1x4096xi32, #tpu.memory_space<hbm>> -> memref<4096xi32, #tpu.memory_space<hbm>>
    tpu.enqueue_dma source(%dma_start3A_35 : memref<4096xi32, #tpu.memory_space<hbm>>) target(%arg6 : memref<4096xi32, #tpu.memory_space<vmem>>) target_semaphore(%arg9 : memref<!tpu.dma_semaphore, #tpu.memory_space<semaphore_mem>>)
    %parallel_loop3A_36 = arith.constant 0 : i32
    %parallel_loop3A_37 = arith.constant 256 : i32
    %parallel_loop3A_38 = arith.constant 1 : i32
    scf.for %parallel_loop3A_71 = %parallel_loop3A_36 to %parallel_loop3A_37 step %parallel_loop3A_38  : i32 {
      %parallel_loop3A_72 = arith.constant 16 : i32
      %parallel_loop3A_73 = arith.muli %parallel_loop3A_71, %parallel_loop3A_72 : i32
      %parallel_loop3A_74 = arith.index_cast %parallel_loop3A_73 : i32 to index
      %parallel_loop3A_75 = tpu.vector_load %arg7[%parallel_loop3A_74] {strides = array<i32>} : memref<4096xi32, #tpu.memory_space<vmem>>, vector<16xi32>,
      %parallel_loop3A_76 = tpu.vector_load_idx %arg5[%parallel_loop3A_75] : memref<100000xf32, #tpu.memory_space<vmem>>[vector<16xi32>], vector<16xf32>,
      %parallel_loop3A_77 = arith.constant 4096 : i32
      %parallel_loop3A_78 = arith.addi %parallel_loop3A_77, %parallel_loop3A_73 : i32
      %parallel_loop3A_79 = arith.index_cast %parallel_loop3A_78 : i32 to index
      %parallel_loop3A_80 = tpu.vector_load %arg8[%parallel_loop3A_79] {strides = array<i32>} : memref<16384xf32, #tpu.memory_space<vmem>>, vector<16xf32>,
      tpu.vector_store %arg8[%parallel_loop3A_79], %parallel_loop3A_76 {strides = array<i32>} : memref<16384xf32, #tpu.memory_space<vmem>>, vector<16xf32>,
    } {sc.loop_unroll_factor = 8 : i64, sc.parallel_access}
    %dma_wait3A_39 = arith.constant 0 : i32
    %dma_wait3A_40 = arith.constant 8192 : i32
    %dma_wait3A_41 = tpu.memref_slice %arg3[%dma_wait3A_39, %dma_wait3A_40] : memref<26x16384xi32, #tpu.memory_space<hbm>> -> memref<1x4096xi32, #tpu.memory_space<hbm>>
    %dma_wait3A_42 = tpu.memref_squeeze %dma_wait3A_41 : memref<1x4096xi32, #tpu.memory_space<hbm>> -> memref<4096xi32, #tpu.memory_space<hbm>>
    %dma_wait3A_43 = arith.constant 8192 : i32
    %dma_wait3A_44 = tpu.memref_slice %arg3[%dma_wait3A_39, %dma_wait3A_43] : memref<26x16384xi32, #tpu.memory_space<hbm>> -> memref<1x4096xi32, #tpu.memory_space<hbm>>
    %dma_wait3A_45 = tpu.memref_squeeze %dma_wait3A_44 : memref<1x4096xi32, #tpu.memory_space<hbm>> -> memref<4096xi32, #tpu.memory_space<hbm>>
    tpu.wait_dma2 semaphore(%arg9 : memref<!tpu.dma_semaphore, #tpu.memory_space<semaphore_mem>>) src(%dma_wait3A_45 : memref<4096xi32, #tpu.memory_space<hbm>>) dst(%arg6 : memref<4096xi32, #tpu.memory_space<vmem>>)
    %dma_start3A_46 = arith.constant 0 : i32
    %dma_start3A_47 = arith.constant 12288 : i32
    %dma_start3A_48 = tpu.memref_slice %arg3[%dma_start3A_46, %dma_start3A_47] : memref<26x16384xi32, #tpu.memory_space<hbm>> -> memref<1x4096xi32, #tpu.memory_space<hbm>>
    %dma_start3A_49 = tpu.memref_squeeze %dma_start3A_48 : memref<1x4096xi32, #tpu.memory_space<hbm>> -> memref<4096xi32, #tpu.memory_space<hbm>>
    %dma_start3A_50 = arith.constant 12288 : i32
    %dma_start3A_51 = tpu.memref_slice %arg3[%dma_start3A_46, %dma_start3A_50] : memref<26x16384xi32, #tpu.memory_space<hbm>> -> memref<1x4096xi32, #tpu.memory_space<hbm>>
    %dma_start3A_52 = tpu.memref_squeeze %dma_start3A_51 : memref<1x4096xi32, #tpu.memory_space<hbm>> -> memref<4096xi32, #tpu.memory_space<hbm>>
    tpu.enqueue_dma source(%dma_start3A_52 : memref<4096xi32, #tpu.memory_space<hbm>>) target(%arg7 : memref<4096xi32, #tpu.memory_space<vmem>>) target_semaphore(%arg10 : memref<!tpu.dma_semaphore, #tpu.memory_space<semaphore_mem>>)
    %parallel_loop3A_53 = arith.constant 0 : i32
    %parallel_loop3A_54 = arith.constant 256 : i32
    %parallel_loop3A_55 = arith.constant 1 : i32
    scf.for %parallel_loop3A_71 = %parallel_loop3A_53 to %parallel_loop3A_54 step %parallel_loop3A_55  : i32 {
      %parallel_loop3A_72 = arith.constant 16 : i32
      %parallel_loop3A_73 = arith.muli %parallel_loop3A_71, %parallel_loop3A_72 : i32
      %parallel_loop3A_74 = arith.index_cast %parallel_loop3A_73 : i32 to index
      %parallel_loop3A_75 = tpu.vector_load %arg6[%parallel_loop3A_74] {strides = array<i32>} : memref<4096xi32, #tpu.memory_space<vmem>>, vector<16xi32>,
      %parallel_loop3A_76 = tpu.vector_load_idx %arg5[%parallel_loop3A_75] : memref<100000xf32, #tpu.memory_space<vmem>>[vector<16xi32>], vector<16xf32>,
      %parallel_loop3A_77 = arith.constant 8192 : i32
      %parallel_loop3A_78 = arith.addi %parallel_loop3A_77, %parallel_loop3A_73 : i32
      %parallel_loop3A_79 = arith.index_cast %parallel_loop3A_78 : i32 to index
      %parallel_loop3A_80 = tpu.vector_load %arg8[%parallel_loop3A_79] {strides = array<i32>} : memref<16384xf32, #tpu.memory_space<vmem>>, vector<16xf32>,
      tpu.vector_store %arg8[%parallel_loop3A_79], %parallel_loop3A_76 {strides = array<i32>} : memref<16384xf32, #tpu.memory_space<vmem>>, vector<16xf32>,
    } {sc.loop_unroll_factor = 8 : i64, sc.parallel_access}
    %dma_wait3A_56 = arith.constant 0 : i32
    %dma_wait3A_57 = arith.constant 12288 : i32
    %dma_wait3A_58 = tpu.memref_slice %arg3[%dma_wait3A_56, %dma_wait3A_57] : memref<26x16384xi32, #tpu.memory_space<hbm>> -> memref<1x4096xi32, #tpu.memory_space<hbm>>
    %dma_wait3A_59 = tpu.memref_squeeze %dma_wait3A_58 : memref<1x4096xi32, #tpu.memory_space<hbm>> -> memref<4096xi32, #tpu.memory_space<hbm>>
    %dma_wait3A_60 = arith.constant 12288 : i32
    %dma_wait3A_61 = tpu.memref_slice %arg3[%dma_wait3A_56, %dma_wait3A_60] : memref<26x16384xi32, #tpu.memory_space<hbm>> -> memref<1x4096xi32, #tpu.memory_space<hbm>>
    %dma_wait3A_62 = tpu.memref_squeeze %dma_wait3A_61 : memref<1x4096xi32, #tpu.memory_space<hbm>> -> memref<4096xi32, #tpu.memory_space<hbm>>
    tpu.wait_dma2 semaphore(%arg10 : memref<!tpu.dma_semaphore, #tpu.memory_space<semaphore_mem>>) src(%dma_wait3A_62 : memref<4096xi32, #tpu.memory_space<hbm>>) dst(%arg7 : memref<4096xi32, #tpu.memory_space<vmem>>)
    %parallel_loop3A_63 = arith.constant 0 : i32
    %parallel_loop3A_64 = arith.constant 256 : i32
    %parallel_loop3A_65 = arith.constant 1 : i32
    scf.for %parallel_loop3A_71 = %parallel_loop3A_63 to %parallel_loop3A_64 step %parallel_loop3A_65  : i32 {
      %parallel_loop3A_72 = arith.constant 16 : i32
      %parallel_loop3A_73 = arith.muli %parallel_loop3A_71, %parallel_loop3A_72 : i32
      %parallel_loop3A_74 = arith.index_cast %parallel_loop3A_73 : i32 to index
      %parallel_loop3A_75 = tpu.vector_load %arg7[%parallel_loop3A_74] {strides = array<i32>} : memref<4096xi32, #tpu.memory_space<vmem>>, vector<16xi32>,
      %parallel_loop3A_76 = tpu.vector_load_idx %arg5[%parallel_loop3A_75] : memref<100000xf32, #tpu.memory_space<vmem>>[vector<16xi32>], vector<16xf32>,
      %parallel_loop3A_77 = arith.constant 12288 : i32
      %parallel_loop3A_78 = arith.addi %parallel_loop3A_77, %parallel_loop3A_73 : i32
      %parallel_loop3A_79 = arith.index_cast %parallel_loop3A_78 : i32 to index
      %parallel_loop3A_80 = tpu.vector_load %arg8[%parallel_loop3A_79] {strides = array<i32>} : memref<16384xf32, #tpu.memory_space<vmem>>, vector<16xf32>,
      tpu.vector_store %arg8[%parallel_loop3A_79], %parallel_loop3A_76 {strides = array<i32>} : memref<16384xf32, #tpu.memory_space<vmem>>, vector<16xf32>,
    } {sc.loop_unroll_factor = 8 : i64, sc.parallel_access}
    %scan3A = arith.constant 0 : i32
    %scan3A_66 = arith.constant 1 : i32
    %scan3A_67 = arith.constant 25 : i32
    %scan3A_68 = arith.addi %scan3A_66, %scan3A_67 : i32
    %scan3A_69 = arith.constant 1 : i32
    scf.for %scan3A_71 = %scan3A_66 to %scan3A_68 step %scan3A_69  : i32 {
      %dma_start3A_72 = arith.constant 0 : i32
      %dma_start3A_73 = tpu.memref_slice %arg3[%scan3A_71, %dma_start3A_72] : memref<26x16384xi32, #tpu.memory_space<hbm>> -> memref<1x4096xi32, #tpu.memory_space<hbm>>
      %dma_start3A_74 = tpu.memref_squeeze %dma_start3A_73 : memref<1x4096xi32, #tpu.memory_space<hbm>> -> memref<4096xi32, #tpu.memory_space<hbm>>
      %dma_start3A_75 = arith.constant 0 : i32
      %dma_start3A_76 = tpu.memref_slice %arg3[%scan3A_71, %dma_start3A_75] : memref<26x16384xi32, #tpu.memory_space<hbm>> -> memref<1x4096xi32, #tpu.memory_space<hbm>>
      %dma_start3A_77 = tpu.memref_squeeze %dma_start3A_76 : memref<1x4096xi32, #tpu.memory_space<hbm>> -> memref<4096xi32, #tpu.memory_space<hbm>>
      tpu.enqueue_dma source(%dma_start3A_77 : memref<4096xi32, #tpu.memory_space<hbm>>) target(%arg6 : memref<4096xi32, #tpu.memory_space<vmem>>) target_semaphore(%arg9 : memref<!tpu.dma_semaphore, #tpu.memory_space<semaphore_mem>>)
      "tpu.region"() ({
        %run_scoped3A_132 = tpu.sem_alloc : memref<!tpu.dma_semaphore, #tpu.memory_space<semaphore_mem>>
        %dma_start3A_133 = arith.constant 0 : i32
        %dma_start3A_134 = tpu.memref_slice %arg2[%scan3A_71, %add3A, %dma_start3A_133] : memref<26x32x100000xf32, #tpu.memory_space<hbm>> -> memref<1x1x100000xf32, #tpu.memory_space<hbm>>
        %dma_start3A_135 = tpu.memref_squeeze %dma_start3A_134 : memref<1x1x100000xf32, #tpu.memory_space<hbm>> -> memref<100000xf32, #tpu.memory_space<hbm>>
        %dma_start3A_136 = arith.constant 0 : i32
        %dma_start3A_137 = tpu.memref_slice %arg2[%scan3A_71, %add3A, %dma_start3A_136] : memref<26x32x100000xf32, #tpu.memory_space<hbm>> -> memref<1x1x100000xf32, #tpu.memory_space<hbm>>
        %dma_start3A_138 = tpu.memref_squeeze %dma_start3A_137 : memref<1x1x100000xf32, #tpu.memory_space<hbm>> -> memref<100000xf32, #tpu.memory_space<hbm>>
        tpu.enqueue_dma source(%dma_start3A_138 : memref<100000xf32, #tpu.memory_space<hbm>>) target(%arg5 : memref<100000xf32, #tpu.memory_space<vmem>>) target_semaphore(%run_scoped3A_132 : memref<!tpu.dma_semaphore, #tpu.memory_space<semaphore_mem>>)
        %dma_wait3A_139 = arith.constant 0 : i32
        %dma_wait3A_140 = tpu.memref_slice %arg2[%scan3A_71, %add3A, %dma_wait3A_139] : memref<26x32x100000xf32, #tpu.memory_space<hbm>> -> memref<1x1x100000xf32, #tpu.memory_space<hbm>>
        %dma_wait3A_141 = tpu.memref_squeeze %dma_wait3A_140 : memref<1x1x100000xf32, #tpu.memory_space<hbm>> -> memref<100000xf32, #tpu.memory_space<hbm>>
        %dma_wait3A_142 = arith.constant 0 : i32
        %dma_wait3A_143 = tpu.memref_slice %arg2[%scan3A_71, %add3A, %dma_wait3A_142] : memref<26x32x100000xf32, #tpu.memory_space<hbm>> -> memref<1x1x100000xf32, #tpu.memory_space<hbm>>
        %dma_wait3A_144 = tpu.memref_squeeze %dma_wait3A_143 : memref<1x1x100000xf32, #tpu.memory_space<hbm>> -> memref<100000xf32, #tpu.memory_space<hbm>>
        tpu.wait_dma2 semaphore(%run_scoped3A_132 : memref<!tpu.dma_semaphore, #tpu.memory_space<semaphore_mem>>) src(%dma_wait3A_144 : memref<100000xf32, #tpu.memory_space<hbm>>) dst(%arg5 : memref<100000xf32, #tpu.memory_space<vmem>>)
        tpu.yield
      }) : () -> ()
      %dma_wait3A_78 = arith.constant 0 : i32
      %dma_wait3A_79 = tpu.memref_slice %arg3[%scan3A_71, %dma_wait3A_78] : memref<26x16384xi32, #tpu.memory_space<hbm>> -> memref<1x4096xi32, #tpu.memory_space<hbm>>
      %dma_wait3A_80 = tpu.memref_squeeze %dma_wait3A_79 : memref<1x4096xi32, #tpu.memory_space<hbm>> -> memref<4096xi32, #tpu.memory_space<hbm>>
      %dma_wait3A_81 = arith.constant 0 : i32
      %dma_wait3A_82 = tpu.memref_slice %arg3[%scan3A_71, %dma_wait3A_81] : memref<26x16384xi32, #tpu.memory_space<hbm>> -> memref<1x4096xi32, #tpu.memory_space<hbm>>
      %dma_wait3A_83 = tpu.memref_squeeze %dma_wait3A_82 : memref<1x4096xi32, #tpu.memory_space<hbm>> -> memref<4096xi32, #tpu.memory_space<hbm>>
      tpu.wait_dma2 semaphore(%arg9 : memref<!tpu.dma_semaphore, #tpu.memory_space<semaphore_mem>>) src(%dma_wait3A_83 : memref<4096xi32, #tpu.memory_space<hbm>>) dst(%arg6 : memref<4096xi32, #tpu.memory_space<vmem>>)
      %dma_start3A_84 = arith.constant 4096 : i32
      %dma_start3A_85 = tpu.memref_slice %arg3[%scan3A_71, %dma_start3A_84] : memref<26x16384xi32, #tpu.memory_space<hbm>> -> memref<1x4096xi32, #tpu.memory_space<hbm>>
      %dma_start3A_86 = tpu.memref_squeeze %dma_start3A_85 : memref<1x4096xi32, #tpu.memory_space<hbm>> -> memref<4096xi32, #tpu.memory_space<hbm>>
      %dma_start3A_87 = arith.constant 4096 : i32
      %dma_start3A_88 = tpu.memref_slice %arg3[%scan3A_71, %dma_start3A_87] : memref<26x16384xi32, #tpu.memory_space<hbm>> -> memref<1x4096xi32, #tpu.memory_space<hbm>>
      %dma_start3A_89 = tpu.memref_squeeze %dma_start3A_88 : memref<1x4096xi32, #tpu.memory_space<hbm>> -> memref<4096xi32, #tpu.memory_space<hbm>>
      tpu.enqueue_dma source(%dma_start3A_89 : memref<4096xi32, #tpu.memory_space<hbm>>) target(%arg7 : memref<4096xi32, #tpu.memory_space<vmem>>) target_semaphore(%arg10 : memref<!tpu.dma_semaphore, #tpu.memory_space<semaphore_mem>>)
      %parallel_loop3A_90 = arith.constant 0 : i32
      %parallel_loop3A_91 = arith.constant 256 : i32
      %parallel_loop3A_92 = arith.constant 1 : i32
      scf.for %parallel_loop3A_132 = %parallel_loop3A_90 to %parallel_loop3A_91 step %parallel_loop3A_92  : i32 {
        %parallel_loop3A_133 = arith.constant 16 : i32
        %parallel_loop3A_134 = arith.muli %parallel_loop3A_132, %parallel_loop3A_133 : i32
        %parallel_loop3A_135 = arith.index_cast %parallel_loop3A_134 : i32 to index
        %parallel_loop3A_136 = tpu.vector_load %arg6[%parallel_loop3A_135] {strides = array<i32>} : memref<4096xi32, #tpu.memory_space<vmem>>, vector<16xi32>,
        %parallel_loop3A_137 = tpu.vector_load_idx %arg5[%parallel_loop3A_136] : memref<100000xf32, #tpu.memory_space<vmem>>[vector<16xi32>], vector<16xf32>,
        %parallel_loop3A_138 = arith.constant 0 : i32
        %parallel_loop3A_139 = arith.addi %parallel_loop3A_138, %parallel_loop3A_134 : i32
        %parallel_loop3A_140 = arith.index_cast %parallel_loop3A_139 : i32 to index
        %parallel_loop3A_141 = tpu.vector_load %arg8[%parallel_loop3A_140] {strides = array<i32>} : memref<16384xf32, #tpu.memory_space<vmem>>, vector<16xf32>,
        tpu.vector_store %arg8[%parallel_loop3A_140], %parallel_loop3A_137 {add = true, strides = array<i32>} : memref<16384xf32, #tpu.memory_space<vmem>>, vector<16xf32>,
      } {sc.loop_unroll_factor = 8 : i64, sc.parallel_access}
      %dma_wait3A_93 = arith.constant 4096 : i32
      %dma_wait3A_94 = tpu.memref_slice %arg3[%scan3A_71, %dma_wait3A_93] : memref<26x16384xi32, #tpu.memory_space<hbm>> -> memref<1x4096xi32, #tpu.memory_space<hbm>>
      %dma_wait3A_95 = tpu.memref_squeeze %dma_wait3A_94 : memref<1x4096xi32, #tpu.memory_space<hbm>> -> memref<4096xi32, #tpu.memory_space<hbm>>
      %dma_wait3A_96 = arith.constant 4096 : i32
      %dma_wait3A_97 = tpu.memref_slice %arg3[%scan3A_71, %dma_wait3A_96] : memref<26x16384xi32, #tpu.memory_space<hbm>> -> memref<1x4096xi32, #tpu.memory_space<hbm>>
      %dma_wait3A_98 = tpu.memref_squeeze %dma_wait3A_97 : memref<1x4096xi32, #tpu.memory_space<hbm>> -> memref<4096xi32, #tpu.memory_space<hbm>>
      tpu.wait_dma2 semaphore(%arg10 : memref<!tpu.dma_semaphore, #tpu.memory_space<semaphore_mem>>) src(%dma_wait3A_98 : memref<4096xi32, #tpu.memory_space<hbm>>) dst(%arg7 : memref<4096xi32, #tpu.memory_space<vmem>>)
      %dma_start3A_99 = arith.constant 8192 : i32
      %dma_start3A_100 = tpu.memref_slice %arg3[%scan3A_71, %dma_start3A_99] : memref<26x16384xi32, #tpu.memory_space<hbm>> -> memref<1x4096xi32, #tpu.memory_space<hbm>>
      %dma_start3A_101 = tpu.memref_squeeze %dma_start3A_100 : memref<1x4096xi32, #tpu.memory_space<hbm>> -> memref<4096xi32, #tpu.memory_space<hbm>>
      %dma_start3A_102 = arith.constant 8192 : i32
      %dma_start3A_103 = tpu.memref_slice %arg3[%scan3A_71, %dma_start3A_102] : memref<26x16384xi32, #tpu.memory_space<hbm>> -> memref<1x4096xi32, #tpu.memory_space<hbm>>
      %dma_start3A_104 = tpu.memref_squeeze %dma_start3A_103 : memref<1x4096xi32, #tpu.memory_space<hbm>> -> memref<4096xi32, #tpu.memory_space<hbm>>
      tpu.enqueue_dma source(%dma_start3A_104 : memref<4096xi32, #tpu.memory_space<hbm>>) target(%arg6 : memref<4096xi32, #tpu.memory_space<vmem>>) target_semaphore(%arg9 : memref<!tpu.dma_semaphore, #tpu.memory_space<semaphore_mem>>)
      %parallel_loop3A_105 = arith.constant 0 : i32
      %parallel_loop3A_106 = arith.constant 256 : i32
      %parallel_loop3A_107 = arith.constant 1 : i32
      scf.for %parallel_loop3A_132 = %parallel_loop3A_105 to %parallel_loop3A_106 step %parallel_loop3A_107  : i32 {
        %parallel_loop3A_133 = arith.constant 16 : i32
        %parallel_loop3A_134 = arith.muli %parallel_loop3A_132, %parallel_loop3A_133 : i32
        %parallel_loop3A_135 = arith.index_cast %parallel_loop3A_134 : i32 to index
        %parallel_loop3A_136 = tpu.vector_load %arg7[%parallel_loop3A_135] {strides = array<i32>} : memref<4096xi32, #tpu.memory_space<vmem>>, vector<16xi32>,
        %parallel_loop3A_137 = tpu.vector_load_idx %arg5[%parallel_loop3A_136] : memref<100000xf32, #tpu.memory_space<vmem>>[vector<16xi32>], vector<16xf32>,
        %parallel_loop3A_138 = arith.constant 4096 : i32
        %parallel_loop3A_139 = arith.addi %parallel_loop3A_138, %parallel_loop3A_134 : i32
        %parallel_loop3A_140 = arith.index_cast %parallel_loop3A_139 : i32 to index
        %parallel_loop3A_141 = tpu.vector_load %arg8[%parallel_loop3A_140] {strides = array<i32>} : memref<16384xf32, #tpu.memory_space<vmem>>, vector<16xf32>,
        tpu.vector_store %arg8[%parallel_loop3A_140], %parallel_loop3A_137 {add = true, strides = array<i32>} : memref<16384xf32, #tpu.memory_space<vmem>>, vector<16xf32>,
      } {sc.loop_unroll_factor = 8 : i64, sc.parallel_access}
      %dma_wait3A_108 = arith.constant 8192 : i32
      %dma_wait3A_109 = tpu.memref_slice %arg3[%scan3A_71, %dma_wait3A_108] : memref<26x16384xi32, #tpu.memory_space<hbm>> -> memref<1x4096xi32, #tpu.memory_space<hbm>>
      %dma_wait3A_110 = tpu.memref_squeeze %dma_wait3A_109 : memref<1x4096xi32, #tpu.memory_space<hbm>> -> memref<4096xi32, #tpu.memory_space<hbm>>
      %dma_wait3A_111 = arith.constant 8192 : i32
      %dma_wait3A_112 = tpu.memref_slice %arg3[%scan3A_71, %dma_wait3A_111] : memref<26x16384xi32, #tpu.memory_space<hbm>> -> memref<1x4096xi32, #tpu.memory_space<hbm>>
      %dma_wait3A_113 = tpu.memref_squeeze %dma_wait3A_112 : memref<1x4096xi32, #tpu.memory_space<hbm>> -> memref<4096xi32, #tpu.memory_space<hbm>>
      tpu.wait_dma2 semaphore(%arg9 : memref<!tpu.dma_semaphore, #tpu.memory_space<semaphore_mem>>) src(%dma_wait3A_113 : memref<4096xi32, #tpu.memory_space<hbm>>) dst(%arg6 : memref<4096xi32, #tpu.memory_space<vmem>>)
      %dma_start3A_114 = arith.constant 12288 : i32
      %dma_start3A_115 = tpu.memref_slice %arg3[%scan3A_71, %dma_start3A_114] : memref<26x16384xi32, #tpu.memory_space<hbm>> -> memref<1x4096xi32, #tpu.memory_space<hbm>>
      %dma_start3A_116 = tpu.memref_squeeze %dma_start3A_115 : memref<1x4096xi32, #tpu.memory_space<hbm>> -> memref<4096xi32, #tpu.memory_space<hbm>>
      %dma_start3A_117 = arith.constant 12288 : i32
      %dma_start3A_118 = tpu.memref_slice %arg3[%scan3A_71, %dma_start3A_117] : memref<26x16384xi32, #tpu.memory_space<hbm>> -> memref<1x4096xi32, #tpu.memory_space<hbm>>
      %dma_start3A_119 = tpu.memref_squeeze %dma_start3A_118 : memref<1x4096xi32, #tpu.memory_space<hbm>> -> memref<4096xi32, #tpu.memory_space<hbm>>
      tpu.enqueue_dma source(%dma_start3A_119 : memref<4096xi32, #tpu.memory_space<hbm>>) target(%arg7 : memref<4096xi32, #tpu.memory_space<vmem>>) target_semaphore(%arg10 : memref<!tpu.dma_semaphore, #tpu.memory_space<semaphore_mem>>)
      %parallel_loop3A_120 = arith.constant 0 : i32
      %parallel_loop3A_121 = arith.constant 256 : i32
      %parallel_loop3A_122 = arith.constant 1 : i32
      scf.for %parallel_loop3A_132 = %parallel_loop3A_120 to %parallel_loop3A_121 step %parallel_loop3A_122  : i32 {
        %parallel_loop3A_133 = arith.constant 16 : i32
        %parallel_loop3A_134 = arith.muli %parallel_loop3A_132, %parallel_loop3A_133 : i32
        %parallel_loop3A_135 = arith.index_cast %parallel_loop3A_134 : i32 to index
        %parallel_loop3A_136 = tpu.vector_load %arg6[%parallel_loop3A_135] {strides = array<i32>} : memref<4096xi32, #tpu.memory_space<vmem>>, vector<16xi32>,
        %parallel_loop3A_137 = tpu.vector_load_idx %arg5[%parallel_loop3A_136] : memref<100000xf32, #tpu.memory_space<vmem>>[vector<16xi32>], vector<16xf32>,
        %parallel_loop3A_138 = arith.constant 8192 : i32
        %parallel_loop3A_139 = arith.addi %parallel_loop3A_138, %parallel_loop3A_134 : i32
        %parallel_loop3A_140 = arith.index_cast %parallel_loop3A_139 : i32 to index
        %parallel_loop3A_141 = tpu.vector_load %arg8[%parallel_loop3A_140] {strides = array<i32>} : memref<16384xf32, #tpu.memory_space<vmem>>, vector<16xf32>,
        tpu.vector_store %arg8[%parallel_loop3A_140], %parallel_loop3A_137 {add = true, strides = array<i32>} : memref<16384xf32, #tpu.memory_space<vmem>>, vector<16xf32>,
      } {sc.loop_unroll_factor = 8 : i64, sc.parallel_access}
      %dma_wait3A_123 = arith.constant 12288 : i32
      %dma_wait3A_124 = tpu.memref_slice %arg3[%scan3A_71, %dma_wait3A_123] : memref<26x16384xi32, #tpu.memory_space<hbm>> -> memref<1x4096xi32, #tpu.memory_space<hbm>>
      %dma_wait3A_125 = tpu.memref_squeeze %dma_wait3A_124 : memref<1x4096xi32, #tpu.memory_space<hbm>> -> memref<4096xi32, #tpu.memory_space<hbm>>
      %dma_wait3A_126 = arith.constant 12288 : i32
      %dma_wait3A_127 = tpu.memref_slice %arg3[%scan3A_71, %dma_wait3A_126] : memref<26x16384xi32, #tpu.memory_space<hbm>> -> memref<1x4096xi32, #tpu.memory_space<hbm>>
      %dma_wait3A_128 = tpu.memref_squeeze %dma_wait3A_127 : memref<1x4096xi32, #tpu.memory_space<hbm>> -> memref<4096xi32, #tpu.memory_space<hbm>>
      tpu.wait_dma2 semaphore(%arg10 : memref<!tpu.dma_semaphore, #tpu.memory_space<semaphore_mem>>) src(%dma_wait3A_128 : memref<4096xi32, #tpu.memory_space<hbm>>) dst(%arg7 : memref<4096xi32, #tpu.memory_space<vmem>>)
      %parallel_loop3A_129 = arith.constant 0 : i32
      %parallel_loop3A_130 = arith.constant 256 : i32
      %parallel_loop3A_131 = arith.constant 1 : i32
      scf.for %parallel_loop3A_132 = %parallel_loop3A_129 to %parallel_loop3A_130 step %parallel_loop3A_131  : i32 {
        %parallel_loop3A_133 = arith.constant 16 : i32
        %parallel_loop3A_134 = arith.muli %parallel_loop3A_132, %parallel_loop3A_133 : i32
        %parallel_loop3A_135 = arith.index_cast %parallel_loop3A_134 : i32 to index
        %parallel_loop3A_136 = tpu.vector_load %arg7[%parallel_loop3A_135] {strides = array<i32>} : memref<4096xi32, #tpu.memory_space<vmem>>, vector<16xi32>,
        %parallel_loop3A_137 = tpu.vector_load_idx %arg5[%parallel_loop3A_136] : memref<100000xf32, #tpu.memory_space<vmem>>[vector<16xi32>], vector<16xf32>,
        %parallel_loop3A_138 = arith.constant 12288 : i32
        %parallel_loop3A_139 = arith.addi %parallel_loop3A_138, %parallel_loop3A_134 : i32
        %parallel_loop3A_140 = arith.index_cast %parallel_loop3A_139 : i32 to index
        %parallel_loop3A_141 = tpu.vector_load %arg8[%parallel_loop3A_140] {strides = array<i32>} : memref<16384xf32, #tpu.memory_space<vmem>>, vector<16xf32>,
        tpu.vector_store %arg8[%parallel_loop3A_140], %parallel_loop3A_137 {add = true, strides = array<i32>} : memref<16384xf32, #tpu.memory_space<vmem>>, vector<16xf32>,
      } {sc.loop_unroll_factor = 8 : i64, sc.parallel_access}
    }
    %scan3A_70 = arith.constant 25 : i32
    "tpu.region"() ({
      %run_scoped3A_71 = tpu.sem_alloc : memref<!tpu.dma_semaphore, #tpu.memory_space<semaphore_mem>>
      %dma_start3A_72 = arith.constant 0 : i32
      %dma_start3A_73 = tpu.memref_slice %arg4[%add3A, %dma_start3A_72] : memref<32x16384xf32, #tpu.memory_space<hbm>> -> memref<1x16384xf32, #tpu.memory_space<hbm>>
      %dma_start3A_74 = tpu.memref_squeeze %dma_start3A_73 : memref<1x16384xf32, #tpu.memory_space<hbm>> -> memref<16384xf32, #tpu.memory_space<hbm>>
      %dma_start3A_75 = arith.constant 0 : i32
      %dma_start3A_76 = tpu.memref_slice %arg4[%add3A, %dma_start3A_75] : memref<32x16384xf32, #tpu.memory_space<hbm>> -> memref<1x16384xf32, #tpu.memory_space<hbm>>
      %dma_start3A_77 = tpu.memref_squeeze %dma_start3A_76 : memref<1x16384xf32, #tpu.memory_space<hbm>> -> memref<16384xf32, #tpu.memory_space<hbm>>
      tpu.enqueue_dma source(%arg8 : memref<16384xf32, #tpu.memory_space<vmem>>) target(%dma_start3A_77 : memref<16384xf32, #tpu.memory_space<hbm>>) target_semaphore(%run_scoped3A_71 : memref<!tpu.dma_semaphore, #tpu.memory_space<semaphore_mem>>)
      %dma_wait3A_78 = arith.constant 0 : i32
      %dma_wait3A_79 = tpu.memref_slice %arg4[%add3A, %dma_wait3A_78] : memref<32x16384xf32, #tpu.memory_space<hbm>> -> memref<1x16384xf32, #tpu.memory_space<hbm>>
      %dma_wait3A_80 = tpu.memref_squeeze %dma_wait3A_79 : memref<1x16384xf32, #tpu.memory_space<hbm>> -> memref<16384xf32, #tpu.memory_space<hbm>>
      %dma_wait3A_81 = arith.constant 0 : i32
      %dma_wait3A_82 = tpu.memref_slice %arg4[%add3A, %dma_wait3A_81] : memref<32x16384xf32, #tpu.memory_space<hbm>> -> memref<1x16384xf32, #tpu.memory_space<hbm>>
      %dma_wait3A_83 = tpu.memref_squeeze %dma_wait3A_82 : memref<1x16384xf32, #tpu.memory_space<hbm>> -> memref<16384xf32, #tpu.memory_space<hbm>>
      tpu.wait_dma2 semaphore(%run_scoped3A_71 : memref<!tpu.dma_semaphore, #tpu.memory_space<semaphore_mem>>) src(%arg8 : memref<16384xf32, #tpu.memory_space<vmem>>) dst(%dma_wait3A_83 : memref<16384xf32, #tpu.memory_space<hbm>>)
      tpu.yield
    }) : () -> ()
    return
  }
}

</mosaic_0001>

<sc_bundles>
// kernel: kernel.3.cloned.1.call-start
scs
__scs_entry_jumppad:
0x0: {  	(pc) =	sbr.rel $0x88, $3  }
0x1: {  	(tag) =	ssettag $0x0;
	lr =	simm.s32 $0x1  }
0x2: {  	[smem:$0x3F9F] =	sst lr;
	_ =	strace $0xD0000000  }
0x3: {  	_ = 	snop  }
0x4: {  	_ = 	snop  }
0x5: {  	_ = 	snop  }
0x6: {  	_ = 	snop  }
0x7: {  	_ = 	snop  }
__scs_overlays_trampoline_lowered:
0x8: {  	[smem:$0x3FAE] =	sst s0  }
0x9: {  	[smem:$0x3FAF] =	sst s1  }
0xa: {  	[smem:$0x3FB0] =	sst s2  }
0xb: {  	[smem:$0x3FB1] =	sst s3  }
0xc: {  	[smem:$0x3FB2] =	sst s4  }
0xd: {  	[smem:$0x3FB3] =	sst s5  }
0xe: {  	[smem:$0x3FB4] =	sst s6  }
0xf: {  	[smem:$0x3FB5] =	sst s7  }
0x10: {  	[smem:$0x3FB6] =	sst s8  }
0x11: {  	[smem:$0x3FB7] =	sst s9;
	s0 =	simm.s32 @!p0 $0x0  }
0x12: {  	s1 =	sld [smem:$0x3F9D];
	s0 =	simm.s32 @p0 $0x1  }
0x13: {  	[smem:$0x3FB8] =	sst s0;
	s0 =	simm.s32 @!p1 $0x0  }
0x14: {  	s2 =	sld [smem:$0x3F9C];
	s0 =	simm.s32 @p1 $0x1  }
0x15: {  	[smem:$0x3FB9] =	sst s0;
	s0 =	simm.s32 @!p2 $0x0  }
0x16: {  	s3 =	sld [smem:$0x3FDB];
	s0 =	simm.s32 @p2 $0x1  }
0x17: {  	s4 =	simm.s32 $0x1BF5;
	[smem:$0x3FBB] =	sst s0  }
0x18: {  	s0 =	sld [smem:$0x3F9E];
	_ =	swait.ge [sflag:s4], $0x0  }
0x19: {  	s7 =	sld [smem:$0x3F9F]  }
0x1a: {  	s8 =	sadd.s32 $0xFFFFE003, lr  }
0x1b: {  	s9 =	sadd.s32 $0xFFFFFEF7, lr;
	s5 =	simm.s32 $0xFFFFFFFF;
	p2 =	slt.u32 s8, $0xFFFFF086  }
0x1c: {  	p1 =	slt.u32 s9, $0xF7A;
	s5 =	simm.s32 @!p2 $0x0  }
0x1d: {  	s5 =	simm.s32 @p1 $0x1;
	p0 =	seq.s32 s7, s2  }
0x1e: {  	s7 =	smul.u32 @!p0 $0xF7A, s2;
	p2 =	seq.s32 @!p0 s5, $0x0  }
0x1f: {  	s9 =	smul.u32 $0xF7A, s1;
	s8 =	simm.s32 @!p0 $0x1BF5;
	p2 =	por !p2, p0  }
0x20: {  	[sflag:s8] =	ssyncset.s32 @!p0 $0xFFFFF086;
	s6 =	sadd.s32 @!p0 s3, s7;
	s7 =	simm.s32 @!p0 $0x108  }
0x21: {  	s3 =	sadd.s32 s3, s9;
	s6 =	sadd.s32 @!p0 $0x88, s6;
	s7 =	simm.s32 @p2 $0x1082  }
0x22: {  	[simem:s7], [sflag:s8] =	dma.local @!p0 [hbm:s6], $0xF7A  }
0x23: {  	s9 =	sor.u32 $0xD0000000, s2;
	s6 =	simm.s32 $0x108;
	_ =	swait.ge @!p0 [sflag:s8], $0x0  }
0x24: {  	s3 =	sadd.s32 $0x88, s3;
	s6 =	simm.s32 @!p1 $0x1082;
	[sflag:s4] =	ssyncset.s32 $0xFFFFF086  }
0x25: {  	[simem:s6], [sflag:s4] =	dma.local [hbm:s3], $0xF7A  }
0x26: {  	[smem:$0x3F9F] =	sst s1;
	(tag) =	ssettag s2;
	_ =	strace s9  }
0x27: {  	s1 =	sld [smem:$0x3FAF]  }
0x28: {  	s2 =	sld [smem:$0x3FB0]  }
0x29: {  	s4 =	sld [smem:$0x3FB2]  }
0x2a: {  	p0 =	seq.s32 s5, $0x0;
	s5 =	sld [smem:$0x3FB3]  }
0x2b: {  	s6 =	sld [smem:$0x3FB4]  }
0x2c: {  	s7 =	sld [smem:$0x3FB5]  }
0x2d: {  	s3 =	simm.s32 $0x108;
	s8 =	sld [smem:$0x3FB6]  }
0x2e: {  	s3 =	simm.s32 @!p0 $0x1082;
	s9 =	sld [smem:$0x3FB7]  }
0x2f: {  	lr =	sadd.s32 s0, s3;
	s0 =	sld [smem:$0x3FAE]  }
0x30: {  	s3 =	sld [smem:$0x3FB1]  }
0x31: {  	[smem:$0x3FBA] =	sst s10  }
0x32: {  	s10 =	sld [smem:$0x3FB8];
	_ =	sdelay $0x3  }
0x33: {  	p0 =	seq.s32 s10, $0x1;
	s10 =	sld [smem:$0x3FBA];
	_ =	sdelay $0x3  }
0x34: {  	[smem:$0x3FBA] =	sst s10  }
0x35: {  	s10 =	sld [smem:$0x3FB9];
	_ =	sdelay $0x3  }
0x36: {  	p1 =	seq.s32 s10, $0x1;
	s10 =	sld [smem:$0x3FBA];
	_ =	sdelay $0x3  }
0x37: {  	[smem:$0x3FBA] =	sst s10  }
0x38: {  	s10 =	sld [smem:$0x3FBB]  }
0x39: {  	_ = 	snop;
	(pc) =	sbr.ind lr, $3  }
0x3a: {  	_ = 	snop  }
0x3b: {  	_ = 	snop  }
0x3c: {  	p2 =	seq.s32 s10, $0x1;
	s10 =	sld [smem:$0x3FBA]  }
0x3d: {  	_ =	shalt  }
0x3e: {  	_ =	shalt  }
0x3f: {  	_ =	shalt  }
0x40: {  	_ =	shalt  }
0x41: {  	_ =	shalt  }
0x42: {  	_ =	shalt  }
0x43: {  	_ =	shalt  }
0x44: {  	_ =	shalt  }
0x45: {  	_ =	shalt  }
0x46: {  	_ =	shalt  }
0x47: {  	_ =	shalt  }
0x48: {  	_ =	shalt  }
0x49: {  	_ =	shalt  }
0x4a: {  	_ =	shalt  }
0x4b: {  	_ =	shalt  }
0x4c: {  	_ =	shalt  }
0x4d: {  	_ =	shalt  }
0x4e: {  	_ =	shalt  }
0x4f: {  	_ =	shalt  }
0x50: {  	_ =	shalt  }
0x51: {  	_ =	shalt  }
0x52: {  	_ =	shalt  }
0x53: {  	_ =	shalt  }
0x54: {  	_ =	shalt  }
0x55: {  	_ =	shalt  }
0x56: {  	_ =	shalt  }
0x57: {  	_ =	shalt  }
0x58: {  	_ =	shalt  }
0x59: {  	_ =	shalt  }
0x5a: {  	_ =	shalt  }
0x5b: {  	_ =	shalt  }
0x5c: {  	_ =	shalt  }
0x5d: {  	_ =	shalt  }
0x5e: {  	_ =	shalt  }
0x5f: {  	_ =	shalt  }
0x60: {  	_ =	shalt  }
0x61: {  	_ =	shalt  }
0x62: {  	_ =	shalt  }
0x63: {  	_ =	shalt  }
0x64: {  	_ =	shalt  }
0x65: {  	_ =	shalt  }
0x66: {  	_ =	shalt  }
0x67: {  	_ =	shalt  }
0x68: {  	_ =	shalt  }
0x69: {  	_ =	shalt  }
0x6a: {  	_ =	shalt  }
0x6b: {  	_ =	shalt  }
0x6c: {  	_ =	shalt  }
0x6d: {  	_ =	shalt  }
0x6e: {  	_ =	shalt  }
0x6f: {  	_ =	shalt  }
0x70: {  	_ =	shalt  }
0x71: {  	_ =	shalt  }
0x72: {  	_ =	shalt  }
0x73: {  	_ =	shalt  }
0x74: {  	_ =	shalt  }
0x75: {  	_ =	shalt  }
0x76: {  	_ =	shalt  }
0x77: {  	_ =	shalt  }
0x78: {  	_ =	shalt  }
0x79: {  	_ =	shalt  }
0x7a: {  	_ =	shalt  }
0x7b: {  	_ =	shalt  }
0x7c: {  	_ =	shalt  }
0x7d: {  	_ =	shalt  }
0x7e: {  	_ =	shalt  }
0x7f: {  	_ =	shalt  }
0x80: {  	_ =	shalt  }
0x81: {  	_ =	shalt  }
0x82: {  	_ =	shalt  }
0x83: {  	_ =	shalt  }
0x84: {  	_ =	shalt  }
0x85: {  	_ =	shalt  }
0x86: {  	_ =	shalt  }
0x87: {  	_ =	shalt  }
.Lfunc_end0:
.L_simem_size_0:
called_computation_lowered:
.L_overlay_start_0:
0x88: {  	s2 =	sld [smem:$0x3FD9]  }
0x89: {  	s3 =	sld [smem:$0x3FFE];
	_ =	sdelay $0x1  }
0x8a: {  	s1 =	srdreg.scid  }
0x8b: {  	s0 =	sand.u32 $0x1, s1  }
0x8c: {  	s18 =	sshll.u32 s0, $0xA;
	s2 =	sadd.s32 s3, s2  }
0x8d: {  	s2 =	sadd.s32 s2, s18  }
0x8e: {  	[smem:$0x3FC6] =	sst s2  }
0x8f: {  	_ = 	snop  }
0x90: {  	s2 =	sld [smem:$0x3FC9]  }
0x91: {  	s19 =	sld [smem:$0x3FC8]  }
0x92: {  	s4 =	sld [smem:$0x3FD0];
	(tm) =	ssettm $0x1  }
0x93: {  	s5 =	sld [smem:$0x3FFB];
	_ =	sdelay $0x3  }
0x94: {  	_ =	strace s5  }
0x95: {  	s5 =	sld [smem:$0x3FFC];
	_ =	sdelay $0x3  }
0x96: {  	_ =	strace s5  }
0x97: {  	s5 =	sld [smem:$0x3FFD];
	_ =	sdelay $0x3  }
0x98: {  	_ =	strace s5  }
0x99: {  	_ =	strace $0x8FFFFFFF  }
0x9a: {  	s20 =	sld [smem:$0x3FDB];
	_ =	sdelay $0x1  }
0x9b: {  	s6 =	simm.s32 $_scs_section_size  }
0x9c: {  	s7 =	simm.s32 $_size__tile_overlayer_lowered;
	s8 =	simm.s32 $_tile_overlayer_lowered  }
0x9d: {  	s23 =	simm.s32 $0x1BFF;
	s22 =	sshll.u32 s8, $0x1;
	s5 =	sadd.s32 s6, s20  }
0x9e: {  	s9 =	simm.s32 $0x0;
	s21 =	sshll.u32 s7, $0x1;
	s7 =	sadd.s32 s22, s5  }
0x9f: {  	[timem:s9], [sflag:s23] =	dma.local [hbm:s7], s21  }
0xa0: {  	_ =	swait.ge [sflag:s23], s21  }
0xa1: {  	s6 =	ssub.s32 $0x0, s21;
	[sflag:s23] =	ssyncset.done $0x0  }
0xa2: {  	[sflag:s23] =	ssyncadd.s32 s6;
	_ =	sdelay $0x1  }
0xa3: {  	s24 =	simm.s32 $0x1B8B  }
0xa4: {  	_ =	swait.ge [sflag:s24], $0x1  }
0xa5: {  	[sflag:s24] =	ssyncset.done $0x0  }
0xa6: {  	s25 =	simm.s32 $0x1B8E;
	[sflag:s24] =	ssyncadd.s32 $0xFFFFFFFF  }
0xa7: {  	s26 =	simm.s32 $execute0_lowered;
	[smem:$0x3FD2] =	sst s25  }
0xa8: {  	s6 =	sshll.u32 s26, $0x1;
	_ =	strace $0x80000046;
	[dreg:$0x1] =	wrdreg $0xFFFFFFFF  }
0xa9: {  	s28 =	simm.s32 $_size_execute0_lowered;
	s5 =	sadd.s32 s5, s6;
	[dreg:$0x0] =	wrdreg $0x0  }
0xaa: {  	s6 =	sshll.u32 s28, $0x1;
	[dreg:$0x2] =	wrdreg s5  }
0xab: {  	[dreg:$0x3] =	wrdreg s6  }
0xac: {  	[dreg:$0x4] =	wrdreg $0xC0  }
0xad: {  	_ =	task [dreg:s9], $0x5FFFF  }
0xae: {  	[dreg:$0x1] =	wrdreg $0xFFFFFFFF  }
0xaf: {  	[dreg:$0x0] =	wrdreg $0x60  }
0xb0: {  	[dreg:$0x2] =	wrdreg s19  }
0xb1: {  	[dreg:$0x3] =	wrdreg s2  }
0xb2: {  	[dreg:$0x4] =	wrdreg s4  }
0xb3: {  	[dreg:$0x5] =	wrdreg $0x9  }
0xb4: {  	_ =	task.clear_ibuf [dreg:s9], $0x6FFFF;
	_ =	strace $0x90000046  }
0xb5: {  	s29 =	simm.s32 $0x9;
	_ =	strace $0x80000048  }
0xb6: {  	_ =	swait.ge [sflag:s29], $0x1  }
0xb7: {  	[sflag:s29] =	ssyncadd.s32 $0xFFFFFFFF  }
0xb8: {  	_ =	strace $0x90000048  }
0xb9: {  	_ =	sfence  }
0xba: {  	s30 =	sld [smem:$0x0];
	_ =	sdelay $0x2  }
0xbb: {  	s31 =	sshll.u32 s1, $0xD;
	s1 =	sshrl.u32 s1, $0x2  }
0xbc: {  	s3 =	sand.u32 $0x4000, s31;
	s1 =	sadd.s32 s1, s30  }
0xbd: {  	s0 =	sor.u32 s3, s0;
	s1 =	sshll.u32 s1, $0x11  }
0xbe: {  	s0 =	sor.u32 s1, s0  }
0xbf: {  	s0 =	sadd.s32 $0x8F2B, s0  }
0xc0: {  	[sflag:s0] =	ssyncadd.remote.s32 $0x1  }
0xc1: {  	_ =	sfence.sel $0xFFFF  }
0xc2: {  	[dreg:$0x0] =	wrdreg $0xFFFFFFFF;
	(pc) =	sbr.abs _section_cstart, $3  }
0xc3: {  	[dreg:$0x1] =	wrdreg $0xFFFFFFFF  }
0xc4: {  	_ =	task.clear_ibuf [dreg:s9], $0x2FFFF;
	_ =	strace $0x9FFFFFFF  }
0xc5: {  	(tm) =	ssettm $0x7FFFFFFF  }
tec
execute0_lowered:
.L_overlay_start_1:
0x0: {  	(tag) =	ssettag $0x1  }
0x1: {  	s1 =	rddreg [dreg:$0x0]  }
0x2: {  	s2 =	rddreg [dreg:$0x1]  }
0x3: {  	s10 =	rddreg [dreg:$0x2]  }
0x4: {  	s0 =	rddreg [dreg:$0x3];
	s4 =	simm.s32 $0x0;
	s5 =	srdreg.scid  }
0x5: {  	s3 =	stileid.u32;
	s14 =	simm.s32 $0x18700;
	s15 =	simm.s32 $0x3  }
0x6: {  	s16 =	simm.s32 $0x1;
	s17 =	simm.s32 $0x19700;
	s18 =	simm.s32 $0x2  }
0x7: {  	s19 =	simm.s32 $0x1A700;
	s20 =	simm.s32 $0x0;
	s5 =	sand.u32 $0x1, s5  }
0x8: {  	s6 =	sshrl.u32 s3, $0x2;
	s7 =	sshll.u32 s3, $0x8;
	[smem:$0x7FF] =	sst s4  }
0x9: {  	s8 =	smul.u32 $0xC3800, s6;
	s9 =	sshll.u32 s5, $0x7;
	s7 =	sand.u32 $0x300, s7  }
0xa: {  	_ =	strace $0x80000047;
	s28 =	ssub.s32 $0x2, s5;
	s12 =	sshll.u32 s6, $0x11  }
0xb: {  	s7 =	sor.u32 s9, s7;
	s29 =	sshrl.u32 s28, $0x1;
	s9 =	sadd.s32 $0x3000, s2  }
0xc: {  	s5 =	sor.u32 s8, s7;
	s13 =	ssub.s32 s28, s29;
	s30 =	sor.u32 s12, s7  }
0xd: {  	s7 =	sadd.s32 $0x1000, s2;
	s8 =	sadd.s32 $0x2000, s2;
	s11 =	sshrl.u32 s5, $0x3  }
0xe: {  	s12 =	simm.s32 $0x80;
	s31 =	sshrl.u32 s30, $0x3;
	s6 =	sadd.s32 s1, s11  }
0xf: {  	s10 =	sadd.s32 s10, s31;
	s11 =	smax.u32 s13, $0x1;
	s13 =	simm.s32 $0x400  }
.LBB2_1:
0x10: {  	[tilespmem:s14], [sflag:$0x1] =	stream.strided.gather [hbm4b:s2+s12], $0x1000, s13, s12, $0x38;
	[tilespmem:$0x1E700] =	vst v63  }
0x11: {  	_ = 	snop  }
0x12: {  	[tilespmem:s4], [sflag:$0x3] =	stream.strided.gather [hbm4b:s6+s12], $0x18700, s13, s12, $0x38;
	[tilespmem:$0x1E700] =	vst v63  }
0x13: {  	_ =	swait.ge [sflag:s15], $0x18700  }
0x14: {  	[sflag:s15] =	ssyncset.done $0x0  }
0x15: {  	[sflag:s15] =	ssyncadd.s32 $0xFFFE7900  }
0x16: {  	_ =	swait.ge [sflag:s16], $0x1000  }
0x17: {  	[sflag:s16] =	ssyncset.done $0x0  }
0x18: {  	s21 =	simm.s32 $0x18740;
	[sflag:s16] =	ssyncadd.s32 $0xFFFFF000  }
0x19: {  	[tilespmem:s17], [sflag:$0x2] =	stream.strided.gather [hbm4b:s7+s12], $0x1000, s13, s12, $0x38;
	[tilespmem:$0x1E700] =	vst v63  }
0x1a: {  	v0 =	vld [tilespmem:s21+$0x30]  }
0x1b: {  	v1 =	vld [tilespmem:s21+$0xFFFFFFD0]  }
0x1c: {  	v2 =	vld [tilespmem:s21+$0xFFFFFFE0]  }
0x1d: {  	v3 =	vld [tilespmem:s21+$0xFFFFFFF0]  }
0x1e: {  	v4 =	vld [tilespmem:s21+$0x0]  }
0x1f: {  	v6 =	vld [tilespmem:s21+$0x10]  }
0x20: {  	v7 =	vld [tilespmem:s21+$0x20]  }
0x21: {  	v8 =	vld [tilespmem:s21+$0xFFFFFFC0]  }
0x22: {  	v9 =	vld.idx.msk [tilespmem:v0+s4+$0x0], $0xffff  }
0x23: {  	v10 =	vld.idx.msk [tilespmem:v1+s4+$0x0], $0xffff  }
0x24: {  	v5 =	vld.idx.msk [tilespmem:v2+s4+$0x0], $0xffff  }
0x25: {  	v3 =	vld.idx.msk [tilespmem:v3+s4+$0x0], $0xffff  }
0x26: {  	v0 =	vld.idx.msk [tilespmem:v4+s4+$0x0], $0xffff  }
0x27: {  	s21 =	simm.s32 $0x1A740;
	v1 =	vld.idx.msk [tilespmem:v6+s4+$0x0], $0xffff  }
0x28: {  	v2 =	vld.idx.msk [tilespmem:v7+s4+$0x0], $0xffff;
	[tilespmem:s21+$0x30] =	vst v9  }
0x29: {  	s22 =	simm.s32 $0x0;
	s23 =	simm.s32 $0x187C0;
	v4 =	vld.idx.msk [tilespmem:v8+s4+$0x0], $0xffff;
	[tilespmem:s21+$0xFFFFFFD0] =	vst v10  }
.LBB2_2:
0x2a: {  	v6 =	vld [tilespmem:s23+$0x30];
	s22 =	sadd.s32 $0x8, s22;
	[tilespmem:s21+$0xFFFFFFE0] =	vst v5  }
0x2b: {  	v5 =	vld [tilespmem:s23+$0xFFFFFFD0];
	p0 =	slt.u32 s22, $0xF8;
	[tilespmem:s21+$0xFFFFFFF0] =	vst v3  }
0x2c: {  	v3 =	vld [tilespmem:s23+$0xFFFFFFE0];
	[tilespmem:s21+$0x0] =	vst v0  }
0x2d: {  	v0 =	vld [tilespmem:s23+$0xFFFFFFF0];
	[tilespmem:s21+$0x10] =	vst v1  }
0x2e: {  	v1 =	vld [tilespmem:s23+$0x0];
	[tilespmem:s21+$0x20] =	vst v2  }
0x2f: {  	v2 =	vld [tilespmem:s23+$0x10];
	[tilespmem:s21+$0xFFFFFFC0] =	vst v4  }
0x30: {  	v4 =	vld [tilespmem:s23+$0x20]  }
0x31: {  	v7 =	vld [tilespmem:s23+$0xFFFFFFC0]  }
0x32: {  	v6 =	vld.idx.msk [tilespmem:v6+s4+$0x0], $0xffff  }
0x33: {  	v8 =	vld.idx.msk [tilespmem:v5+s4+$0x0], $0xffff  }
0x34: {  	v5 =	vld.idx.msk [tilespmem:v3+s4+$0x0], $0xffff  }
.Ltmp0:
0x35: {  	v3 =	vld.idx.msk [tilespmem:v0+s4+$0x0], $0xffff;
	(pc) =	sbr.rel @p0 .LBB2_2-.Ltmp0, $4  }
0x36: {  	v0 =	vld.idx.msk [tilespmem:v1+s4+$0x0], $0xffff  }
0x37: {  	s21 =	sadd.s32 $0x80, s21;
	v1 =	vld.idx.msk [tilespmem:v2+s4+$0x0], $0xffff  }
0x38: {  	v2 =	vld.idx.msk [tilespmem:v4+s4+$0x0], $0xffff;
	[tilespmem:s21+$0x30] =	vst v6  }
0x39: {  	s23 =	sadd.s32 $0x80, s23;
	v4 =	vld.idx.msk [tilespmem:v7+s4+$0x0], $0xffff;
	[tilespmem:s21+$0xFFFFFFD0] =	vst v8  }
0x3a: {  	[tilespmem:s21+$0xFFFFFFE0] =	vst v5  }
0x3b: {  	[tilespmem:s21+$0xFFFFFFF0] =	vst v3  }
0x3c: {  	[tilespmem:s21+$0x0] =	vst v0  }
0x3d: {  	[tilespmem:s21+$0x10] =	vst v1  }
0x3e: {  	[tilespmem:s21+$0x20] =	vst v2  }
0x3f: {  	[tilespmem:s21+$0xFFFFFFC0] =	vst v4  }
0x40: {  	_ =	swait.ge [sflag:s18], $0x1000  }
0x41: {  	[sflag:s18] =	ssyncset.done $0x0  }
0x42: {  	s31 =	simm.s32 $0x19740;
	[sflag:s18] =	ssyncadd.s32 $0xFFFFF000  }
0x43: {  	[tilespmem:s14], [sflag:$0x1] =	stream.strided.gather [hbm4b:s8+s12], $0x1000, s13, s12, $0x38;
	[tilespmem:$0x1E700] =	vst v63  }
0x44: {  	v0 =	vld [tilespmem:s31+$0x30]  }
0x45: {  	v1 =	vld [tilespmem:s31+$0xFFFFFFD0]  }
0x46: {  	v2 =	vld [tilespmem:s31+$0xFFFFFFE0]  }
0x47: {  	v3 =	vld [tilespmem:s31+$0xFFFFFFF0]  }
0x48: {  	v4 =	vld [tilespmem:s31+$0x0]  }
0x49: {  	v6 =	vld [tilespmem:s31+$0x10]  }
0x4a: {  	v7 =	vld [tilespmem:s31+$0x20]  }
0x4b: {  	v8 =	vld [tilespmem:s31+$0xFFFFFFC0]  }
0x4c: {  	v9 =	vld.idx.msk [tilespmem:v0+s4+$0x0], $0xffff  }
0x4d: {  	v10 =	vld.idx.msk [tilespmem:v1+s4+$0x0], $0xffff  }
0x4e: {  	v5 =	vld.idx.msk [tilespmem:v2+s4+$0x0], $0xffff  }
0x4f: {  	v3 =	vld.idx.msk [tilespmem:v3+s4+$0x0], $0xffff  }
0x50: {  	v0 =	vld.idx.msk [tilespmem:v4+s4+$0x0], $0xffff  }
0x51: {  	s21 =	simm.s32 $0x1B770;
	v1 =	vld.idx.msk [tilespmem:v6+s4+$0x0], $0xffff  }
0x52: {  	v2 =	vld.idx.msk [tilespmem:v7+s4+$0x0], $0xffff;
	[tilespmem:s21+$0x0] =	vst v9  }
0x53: {  	s22 =	simm.s32 $0x0;
	s23 =	simm.s32 $0x197C0;
	v4 =	vld.idx.msk [tilespmem:v8+s4+$0x0], $0xffff;
	[tilespmem:s21+$0xFFFFFFA0] =	vst v10  }
.LBB2_4:
0x54: {  	v6 =	vld [tilespmem:s23+$0x30];
	s22 =	sadd.s32 $0x8, s22;
	[tilespmem:s21+$0xFFFFFFB0] =	vst v5  }
0x55: {  	v5 =	vld [tilespmem:s23+$0xFFFFFFD0];
	p0 =	slt.u32 s22, $0xF8;
	[tilespmem:s21+$0xFFFFFFC0] =	vst v3  }
0x56: {  	v3 =	vld [tilespmem:s23+$0xFFFFFFE0];
	[tilespmem:s21+$0xFFFFFFD0] =	vst v0  }
0x57: {  	v0 =	vld [tilespmem:s23+$0xFFFFFFF0];
	[tilespmem:s21+$0xFFFFFFE0] =	vst v1  }
0x58: {  	v1 =	vld [tilespmem:s23+$0x0];
	[tilespmem:s21+$0xFFFFFFF0] =	vst v2  }
0x59: {  	v2 =	vld [tilespmem:s23+$0x10];
	[tilespmem:s21+$0xFFFFFF90] =	vst v4  }
0x5a: {  	v4 =	vld [tilespmem:s23+$0x20]  }
0x5b: {  	v7 =	vld [tilespmem:s23+$0xFFFFFFC0]  }
0x5c: {  	v6 =	vld.idx.msk [tilespmem:v6+s4+$0x0], $0xffff  }
0x5d: {  	v8 =	vld.idx.msk [tilespmem:v5+s4+$0x0], $0xffff  }
0x5e: {  	v5 =	vld.idx.msk [tilespmem:v3+s4+$0x0], $0xffff  }
.Ltmp1:
0x5f: {  	v3 =	vld.idx.msk [tilespmem:v0+s4+$0x0], $0xffff;
	(pc) =	sbr.rel @p0 .LBB2_4-.Ltmp1, $4  }
0x60: {  	v0 =	vld.idx.msk [tilespmem:v1+s4+$0x0], $0xffff  }
0x61: {  	s21 =	sadd.s32 $0x80, s21;
	v1 =	vld.idx.msk [tilespmem:v2+s4+$0x0], $0xffff  }
0x62: {  	v2 =	vld.idx.msk [tilespmem:v4+s4+$0x0], $0xffff;
	[tilespmem:s21+$0x0] =	vst v6  }
0x63: {  	s23 =	sadd.s32 $0x80, s23;
	v4 =	vld.idx.msk [tilespmem:v7+s4+$0x0], $0xffff;
	[tilespmem:s21+$0xFFFFFFA0] =	vst v8  }
0x64: {  	[tilespmem:s21+$0xFFFFFFB0] =	vst v5  }
0x65: {  	[tilespmem:s21+$0xFFFFFFC0] =	vst v3  }
0x66: {  	[tilespmem:s21+$0xFFFFFFD0] =	vst v0  }
0x67: {  	[tilespmem:s21+$0xFFFFFFE0] =	vst v1  }
0x68: {  	[tilespmem:s21+$0xFFFFFFF0] =	vst v2  }
0x69: {  	[tilespmem:s21+$0xFFFFFF90] =	vst v4  }
0x6a: {  	_ =	swait.ge [sflag:s16], $0x1000  }
0x6b: {  	[sflag:s16] =	ssyncset.done $0x0  }
0x6c: {  	s31 =	simm.s32 $0x18740;
	[sflag:s16] =	ssyncadd.s32 $0xFFFFF000  }
0x6d: {  	[tilespmem:s17], [sflag:$0x2] =	stream.strided.gather [hbm4b:s9+s12], $0x1000, s13, s12, $0x38;
	[tilespmem:$0x1E700] =	vst v63  }
0x6e: {  	v0 =	vld [tilespmem:s31+$0x30]  }
0x6f: {  	v1 =	vld [tilespmem:s31+$0xFFFFFFD0]  }
0x70: {  	v2 =	vld [tilespmem:s31+$0xFFFFFFE0]  }
0x71: {  	v3 =	vld [tilespmem:s31+$0xFFFFFFF0]  }
0x72: {  	v4 =	vld [tilespmem:s31+$0x0]  }
0x73: {  	v6 =	vld [tilespmem:s31+$0x10]  }
0x74: {  	v7 =	vld [tilespmem:s31+$0x20]  }
0x75: {  	v8 =	vld [tilespmem:s31+$0xFFFFFFC0]  }
0x76: {  	v9 =	vld.idx.msk [tilespmem:v0+s4+$0x0], $0xffff  }
0x77: {  	v10 =	vld.idx.msk [tilespmem:v1+s4+$0x0], $0xffff  }
0x78: {  	v5 =	vld.idx.msk [tilespmem:v2+s4+$0x0], $0xffff  }
0x79: {  	v3 =	vld.idx.msk [tilespmem:v3+s4+$0x0], $0xffff  }
0x7a: {  	v0 =	vld.idx.msk [tilespmem:v4+s4+$0x0], $0xffff  }
0x7b: {  	s21 =	simm.s32 $0x1C770;
	v1 =	vld.idx.msk [tilespmem:v6+s4+$0x0], $0xffff  }
0x7c: {  	v2 =	vld.idx.msk [tilespmem:v7+s4+$0x0], $0xffff;
	[tilespmem:s21+$0x0] =	vst v9  }
0x7d: {  	s22 =	simm.s32 $0x0;
	s23 =	simm.s32 $0x187C0;
	v4 =	vld.idx.msk [tilespmem:v8+s4+$0x0], $0xffff;
	[tilespmem:s21+$0xFFFFFFA0] =	vst v10  }
.LBB2_6:
0x7e: {  	v6 =	vld [tilespmem:s23+$0x30];
	s22 =	sadd.s32 $0x8, s22;
	[tilespmem:s21+$0xFFFFFFB0] =	vst v5  }
0x7f: {  	v5 =	vld [tilespmem:s23+$0xFFFFFFD0];
	p0 =	slt.u32 s22, $0xF8;
	[tilespmem:s21+$0xFFFFFFC0] =	vst v3  }
0x80: {  	v3 =	vld [tilespmem:s23+$0xFFFFFFE0];
	[tilespmem:s21+$0xFFFFFFD0] =	vst v0  }
0x81: {  	v0 =	vld [tilespmem:s23+$0xFFFFFFF0];
	[tilespmem:s21+$0xFFFFFFE0] =	vst v1  }
0x82: {  	v1 =	vld [tilespmem:s23+$0x0];
	[tilespmem:s21+$0xFFFFFFF0] =	vst v2  }
0x83: {  	v2 =	vld [tilespmem:s23+$0x10];
	[tilespmem:s21+$0xFFFFFF90] =	vst v4  }
0x84: {  	v4 =	vld [tilespmem:s23+$0x20]  }
0x85: {  	v7 =	vld [tilespmem:s23+$0xFFFFFFC0]  }
0x86: {  	v6 =	vld.idx.msk [tilespmem:v6+s4+$0x0], $0xffff  }
0x87: {  	v8 =	vld.idx.msk [tilespmem:v5+s4+$0x0], $0xffff  }
0x88: {  	v5 =	vld.idx.msk [tilespmem:v3+s4+$0x0], $0xffff  }
.Ltmp2:
0x89: {  	v3 =	vld.idx.msk [tilespmem:v0+s4+$0x0], $0xffff;
	(pc) =	sbr.rel @p0 .LBB2_6-.Ltmp2, $4  }
0x8a: {  	v0 =	vld.idx.msk [tilespmem:v1+s4+$0x0], $0xffff  }
0x8b: {  	s21 =	sadd.s32 $0x80, s21;
	v1 =	vld.idx.msk [tilespmem:v2+s4+$0x0], $0xffff  }
0x8c: {  	v2 =	vld.idx.msk [tilespmem:v4+s4+$0x0], $0xffff;
	[tilespmem:s21+$0x0] =	vst v6  }
0x8d: {  	s23 =	sadd.s32 $0x80, s23;
	v4 =	vld.idx.msk [tilespmem:v7+s4+$0x0], $0xffff;
	[tilespmem:s21+$0xFFFFFFA0] =	vst v8  }
0x8e: {  	[tilespmem:s21+$0xFFFFFFB0] =	vst v5  }
0x8f: {  	[tilespmem:s21+$0xFFFFFFC0] =	vst v3  }
0x90: {  	[tilespmem:s21+$0xFFFFFFD0] =	vst v0  }
0x91: {  	[tilespmem:s21+$0xFFFFFFE0] =	vst v1  }
0x92: {  	[tilespmem:s21+$0xFFFFFFF0] =	vst v2  }
0x93: {  	[tilespmem:s21+$0xFFFFFF90] =	vst v4  }
0x94: {  	_ =	swait.ge [sflag:s18], $0x1000  }
0x95: {  	[sflag:s18] =	ssyncset.done $0x0  }
0x96: {  	s31 =	simm.s32 $0x19740;
	[sflag:s18] =	ssyncadd.s32 $0xFFFFF000  }
0x97: {  	v0 =	vld [tilespmem:s31+$0x30]  }
0x98: {  	v1 =	vld [tilespmem:s31+$0xFFFFFFD0]  }
0x99: {  	v2 =	vld [tilespmem:s31+$0xFFFFFFE0]  }
0x9a: {  	v3 =	vld [tilespmem:s31+$0xFFFFFFF0]  }
0x9b: {  	v5 =	vld [tilespmem:s31+$0x0]  }
0x9c: {  	v6 =	vld [tilespmem:s31+$0x10]  }
0x9d: {  	v7 =	vld [tilespmem:s31+$0x20]  }
0x9e: {  	v8 =	vld [tilespmem:s31+$0xFFFFFFC0]  }
0x9f: {  	v9 =	vld.idx.msk [tilespmem:v0+s4+$0x0], $0xffff  }
0xa0: {  	v10 =	vld.idx.msk [tilespmem:v1+s4+$0x0], $0xffff  }
0xa1: {  	v4 =	vld.idx.msk [tilespmem:v2+s4+$0x0], $0xffff  }
0xa2: {  	v3 =	vld.idx.msk [tilespmem:v3+s4+$0x0], $0xffff  }
0xa3: {  	v0 =	vld.idx.msk [tilespmem:v5+s4+$0x0], $0xffff  }
0xa4: {  	s22 =	simm.s32 $0x1D770;
	v1 =	vld.idx.msk [tilespmem:v6+s4+$0x0], $0xffff  }
0xa5: {  	v2 =	vld.idx.msk [tilespmem:v7+s4+$0x0], $0xffff;
	[tilespmem:s22+$0x0] =	vst v9  }
0xa6: {  	s23 =	simm.s32 $0x0;
	s24 =	simm.s32 $0x197C0;
	v5 =	vld.idx.msk [tilespmem:v8+s4+$0x0], $0xffff;
	[tilespmem:s22+$0xFFFFFFA0] =	vst v10  }
.LBB2_8:
0xa7: {  	v6 =	vld [tilespmem:s24+$0x30];
	s23 =	sadd.s32 $0x8, s23;
	[tilespmem:s22+$0xFFFFFFB0] =	vst v4  }
0xa8: {  	v4 =	vld [tilespmem:s24+$0xFFFFFFD0];
	p0 =	slt.u32 s23, $0xF8;
	[tilespmem:s22+$0xFFFFFFC0] =	vst v3  }
0xa9: {  	v3 =	vld [tilespmem:s24+$0xFFFFFFE0];
	[tilespmem:s22+$0xFFFFFFD0] =	vst v0  }
0xaa: {  	v0 =	vld [tilespmem:s24+$0xFFFFFFF0];
	[tilespmem:s22+$0xFFFFFFE0] =	vst v1  }
0xab: {  	v1 =	vld [tilespmem:s24+$0x0];
	[tilespmem:s22+$0xFFFFFFF0] =	vst v2  }
0xac: {  	v2 =	vld [tilespmem:s24+$0x10];
	[tilespmem:s22+$0xFFFFFF90] =	vst v5  }
0xad: {  	v5 =	vld [tilespmem:s24+$0x20]  }
0xae: {  	v7 =	vld [tilespmem:s24+$0xFFFFFFC0]  }
0xaf: {  	v6 =	vld.idx.msk [tilespmem:v6+s4+$0x0], $0xffff  }
0xb0: {  	v8 =	vld.idx.msk [tilespmem:v4+s4+$0x0], $0xffff  }
0xb1: {  	v4 =	vld.idx.msk [tilespmem:v3+s4+$0x0], $0xffff  }
.Ltmp3:
0xb2: {  	v3 =	vld.idx.msk [tilespmem:v0+s4+$0x0], $0xffff;
	(pc) =	sbr.rel @p0 .LBB2_8-.Ltmp3, $4  }
0xb3: {  	v0 =	vld.idx.msk [tilespmem:v1+s4+$0x0], $0xffff  }
0xb4: {  	s22 =	sadd.s32 $0x80, s22;
	v1 =	vld.idx.msk [tilespmem:v2+s4+$0x0], $0xffff  }
0xb5: {  	s21 =	simm.s32 $0x1;
	v2 =	vld.idx.msk [tilespmem:v5+s4+$0x0], $0xffff;
	[tilespmem:s22+$0x0] =	vst v6  }
0xb6: {  	s24 =	sadd.s32 $0x80, s24;
	v5 =	vld.idx.msk [tilespmem:v7+s4+$0x0], $0xffff;
	[tilespmem:s22+$0xFFFFFFA0] =	vst v8  }
0xb7: {  	[tilespmem:s22+$0xFFFFFFB0] =	vst v4  }
0xb8: {  	[tilespmem:s22+$0xFFFFFFC0] =	vst v3  }
0xb9: {  	[tilespmem:s22+$0xFFFFFFD0] =	vst v0  }
0xba: {  	[tilespmem:s22+$0xFFFFFFE0] =	vst v1  }
0xbb: {  	[tilespmem:s22+$0xFFFFFFF0] =	vst v2  }
0xbc: {  	[tilespmem:s22+$0xFFFFFF90] =	vst v5  }
.LBB2_10:
0xbd: {  	s22 =	sshll.u32 s21, $0xB;
	s23 =	sshll.u32 s21, $0x4  }
0xbe: {  	s24 =	smul.u32 $0x30E000, s21;
	s22 =	sand.u32 $0xC000, s22;
	s23 =	sand.u32 $0x70, s23  }
0xbf: {  	s22 =	sor.u32 s23, s22  }
0xc0: {  	s29 =	sadd.s32 s5, s24;
	s23 =	sadd.s32 s2, s22  }
0xc1: {  	[tilespmem:s14], [sflag:$0x1] =	stream.strided.gather [hbm4b:s23+s12], $0x1000, s13, s12, $0x38;
	[tilespmem:$0x1E700] =	vst v63  }
0xc2: {  	s23 =	sshrl.u32 s29, $0x3  }
0xc3: {  	s30 =	simm.s32 $0x0;
	s23 =	sadd.s32 s1, s23  }
0xc4: {  	[tilespmem:s30], [sflag:$0x3] =	stream.strided.gather [hbm4b:s23+s12], $0x18700, s13, s12, $0x38;
	[tilespmem:$0x1E700] =	vst v63  }
0xc5: {  	_ =	swait.ge [sflag:s15], $0x18700  }
0xc6: {  	[sflag:s15] =	ssyncset.done $0x0  }
0xc7: {  	[sflag:s15] =	ssyncadd.s32 $0xFFFE7900  }
0xc8: {  	_ =	swait.ge [sflag:s16], $0x1000  }
0xc9: {  	[sflag:s16] =	ssyncset.done $0x0  }
0xca: {  	s31 =	sadd.s32 s22, s7;
	s23 =	simm.s32 $0x0;
	[sflag:s16] =	ssyncadd.s32 $0xFFFFF000  }
0xcb: {  	[tilespmem:s17], [sflag:$0x2] =	stream.strided.gather [hbm4b:s31+s12], $0x1000, s13, s12, $0x38;
	[tilespmem:$0x1E700] =	vst v63  }
0xcc: {  	v0 =	vld [tilespmem:s23+$0x18770]  }
0xcd: {  	v1 =	vld [tilespmem:s23+$0x18700]  }
0xce: {  	v2 =	vld [tilespmem:s23+$0x18710]  }
0xcf: {  	v3 =	vld [tilespmem:s23+$0x18720]  }
0xd0: {  	v4 =	vld [tilespmem:s23+$0x18730]  }
0xd1: {  	v5 =	vld [tilespmem:s23+$0x18740]  }
0xd2: {  	v6 =	vld [tilespmem:s23+$0x18750]  }
0xd3: {  	v7 =	vld [tilespmem:s23+$0x18760]  }
0xd4: {  	v0 =	vld.idx.msk [tilespmem:v0+s4+$0x0], $0xffff  }
0xd5: {  	v1 =	vld.idx.msk [tilespmem:v1+s4+$0x0], $0xffff  }
0xd6: {  	v2 =	vld.idx.msk [tilespmem:v2+s4+$0x0], $0xffff  }
0xd7: {  	v3 =	vld.idx.msk [tilespmem:v3+s4+$0x0], $0xffff  }
0xd8: {  	v4 =	vld.idx.msk [tilespmem:v4+s4+$0x0], $0xffff  }
0xd9: {  	v5 =	vld.idx.msk [tilespmem:v5+s4+$0x0], $0xffff  }
0xda: {  	v6 =	vld.idx.msk [tilespmem:v6+s4+$0x0], $0xffff  }
0xdb: {  	[tilespmem:s23+$0x1A770] =	vst.add.f32.msk $0xffff, v0  }
0xdc: {  	v0 =	vld.idx.msk [tilespmem:v7+s4+$0x0], $0xffff  }
0xdd: {  	[tilespmem:s23+$0x1A700] =	vst.add.f32.msk $0xffff, v1  }
0xde: {  	[tilespmem:s23+$0x1A710] =	vst.add.f32.msk $0xffff, v2  }
0xdf: {  	[tilespmem:s23+$0x1A720] =	vst.add.f32.msk $0xffff, v3  }
0xe0: {  	[tilespmem:s23+$0x1A730] =	vst.add.f32.msk $0xffff, v4  }
0xe1: {  	[tilespmem:s23+$0x1A740] =	vst.add.f32.msk $0xffff, v5  }
0xe2: {  	s25 =	simm.s32 $0x200;
	s24 =	simm.s32 $0x0;
	[tilespmem:s23+$0x1A750] =	vst.add.f32.msk $0xffff, v6  }
.LBB2_11:
0xe3: {  	s24 =	sadd.s32 $0x8, s24;
	[tilespmem:s23+$0x1A760] =	vst.add.f32.msk $0xffff, v0;
	s23 =	sshra.s32 s25, $0x2  }
0xe4: {  	v0 =	vld [tilespmem:s23+$0x18770];
	p0 =	slt.u32 s24, $0xF8  }
0xe5: {  	v1 =	vld [tilespmem:s23+$0x18700]  }
0xe6: {  	v2 =	vld [tilespmem:s23+$0x18710]  }
0xe7: {  	v3 =	vld [tilespmem:s23+$0x18720]  }
0xe8: {  	v4 =	vld [tilespmem:s23+$0x18730]  }
0xe9: {  	v5 =	vld [tilespmem:s23+$0x18740]  }
0xea: {  	v6 =	vld [tilespmem:s23+$0x18750]  }
0xeb: {  	v7 =	vld [tilespmem:s23+$0x18760]  }
0xec: {  	v0 =	vld.idx.msk [tilespmem:v0+s4+$0x0], $0xffff  }
0xed: {  	v1 =	vld.idx.msk [tilespmem:v1+s4+$0x0], $0xffff  }
0xee: {  	v2 =	vld.idx.msk [tilespmem:v2+s4+$0x0], $0xffff  }
0xef: {  	v3 =	vld.idx.msk [tilespmem:v3+s4+$0x0], $0xffff  }
0xf0: {  	v4 =	vld.idx.msk [tilespmem:v4+s4+$0x0], $0xffff  }
0xf1: {  	v5 =	vld.idx.msk [tilespmem:v5+s4+$0x0], $0xffff  }
0xf2: {  	[tilespmem:s23+$0x1A770] =	vst.add.f32.msk $0xffff, v0  }
0xf3: {  	v6 =	vld.idx.msk [tilespmem:v6+s4+$0x0], $0xffff  }
0xf4: {  	v0 =	vld.idx.msk [tilespmem:v7+s4+$0x0], $0xffff  }
0xf5: {  	[tilespmem:s23+$0x1A700] =	vst.add.f32.msk $0xffff, v1  }
.Ltmp4:
0xf6: {  	[tilespmem:s23+$0x1A710] =	vst.add.f32.msk $0xffff, v2;
	(pc) =	sbr.rel @p0 .LBB2_11-.Ltmp4, $4  }
0xf7: {  	[tilespmem:s23+$0x1A720] =	vst.add.f32.msk $0xffff, v3  }
0xf8: {  	[tilespmem:s23+$0x1A730] =	vst.add.f32.msk $0xffff, v4  }
0xf9: {  	[tilespmem:s23+$0x1A740] =	vst.add.f32.msk $0xffff, v5  }
0xfa: {  	s25 =	sadd.s32 $0x200, s25;
	[tilespmem:s23+$0x1A750] =	vst.add.f32.msk $0xffff, v6  }
0xfb: {  	[tilespmem:s23+$0x1A760] =	vst.add.f32.msk $0xffff, v0  }
0xfc: {  	_ =	swait.ge [sflag:s18], $0x1000  }
0xfd: {  	[sflag:s18] =	ssyncset.done $0x0  }
0xfe: {  	s31 =	sadd.s32 s22, s8;
	s23 =	simm.s32 $0x0;
	[sflag:s18] =	ssyncadd.s32 $0xFFFFF000  }
0xff: {  	[tilespmem:s14], [sflag:$0x1] =	stream.strided.gather [hbm4b:s31+s12], $0x1000, s13, s12, $0x38;
	[tilespmem:$0x1E700] =	vst v63  }
0x100: {  	v0 =	vld [tilespmem:s23+$0x19770]  }
0x101: {  	v1 =	vld [tilespmem:s23+$0x19700]  }
0x102: {  	v2 =	vld [tilespmem:s23+$0x19710]  }
0x103: {  	v3 =	vld [tilespmem:s23+$0x19720]  }
0x104: {  	v4 =	vld [tilespmem:s23+$0x19730]  }
0x105: {  	v5 =	vld [tilespmem:s23+$0x19740]  }
0x106: {  	v6 =	vld [tilespmem:s23+$0x19750]  }
0x107: {  	v7 =	vld [tilespmem:s23+$0x19760]  }
0x108: {  	v0 =	vld.idx.msk [tilespmem:v0+s4+$0x0], $0xffff  }
0x109: {  	v1 =	vld.idx.msk [tilespmem:v1+s4+$0x0], $0xffff  }
0x10a: {  	v2 =	vld.idx.msk [tilespmem:v2+s4+$0x0], $0xffff  }
0x10b: {  	v3 =	vld.idx.msk [tilespmem:v3+s4+$0x0], $0xffff  }
0x10c: {  	v4 =	vld.idx.msk [tilespmem:v4+s4+$0x0], $0xffff  }
0x10d: {  	v5 =	vld.idx.msk [tilespmem:v5+s4+$0x0], $0xffff  }
0x10e: {  	v6 =	vld.idx.msk [tilespmem:v6+s4+$0x0], $0xffff  }
0x10f: {  	[tilespmem:s23+$0x1B770] =	vst.add.f32.msk $0xffff, v0  }
0x110: {  	v0 =	vld.idx.msk [tilespmem:v7+s4+$0x0], $0xffff  }
0x111: {  	[tilespmem:s23+$0x1B700] =	vst.add.f32.msk $0xffff, v1  }
0x112: {  	[tilespmem:s23+$0x1B710] =	vst.add.f32.msk $0xffff, v2  }
0x113: {  	[tilespmem:s23+$0x1B720] =	vst.add.f32.msk $0xffff, v3  }
0x114: {  	[tilespmem:s23+$0x1B730] =	vst.add.f32.msk $0xffff, v4  }
0x115: {  	[tilespmem:s23+$0x1B740] =	vst.add.f32.msk $0xffff, v5  }
0x116: {  	s24 =	simm.s32 $0x0;
	s25 =	simm.s32 $0x200;
	[tilespmem:s23+$0x1B750] =	vst.add.f32.msk $0xffff, v6  }
.LBB2_13:
0x117: {  	s24 =	sadd.s32 $0x8, s24;
	[tilespmem:s23+$0x1B760] =	vst.add.f32.msk $0xffff, v0;
	s23 =	sshra.s32 s25, $0x2  }
0x118: {  	v0 =	vld [tilespmem:s23+$0x19770];
	p0 =	slt.u32 s24, $0xF8  }
0x119: {  	v1 =	vld [tilespmem:s23+$0x19700]  }
0x11a: {  	v2 =	vld [tilespmem:s23+$0x19710]  }
0x11b: {  	v3 =	vld [tilespmem:s23+$0x19720]  }
0x11c: {  	v4 =	vld [tilespmem:s23+$0x19730]  }
0x11d: {  	v5 =	vld [tilespmem:s23+$0x19740]  }
0x11e: {  	v6 =	vld [tilespmem:s23+$0x19750]  }
0x11f: {  	v7 =	vld [tilespmem:s23+$0x19760]  }
0x120: {  	v0 =	vld.idx.msk [tilespmem:v0+s4+$0x0], $0xffff  }
0x121: {  	v1 =	vld.idx.msk [tilespmem:v1+s4+$0x0], $0xffff  }
0x122: {  	v2 =	vld.idx.msk [tilespmem:v2+s4+$0x0], $0xffff  }
0x123: {  	v3 =	vld.idx.msk [tilespmem:v3+s4+$0x0], $0xffff  }
0x124: {  	v4 =	vld.idx.msk [tilespmem:v4+s4+$0x0], $0xffff  }
0x125: {  	v5 =	vld.idx.msk [tilespmem:v5+s4+$0x0], $0xffff  }
0x126: {  	[tilespmem:s23+$0x1B770] =	vst.add.f32.msk $0xffff, v0  }
0x127: {  	v6 =	vld.idx.msk [tilespmem:v6+s4+$0x0], $0xffff  }
0x128: {  	v0 =	vld.idx.msk [tilespmem:v7+s4+$0x0], $0xffff  }
0x129: {  	[tilespmem:s23+$0x1B700] =	vst.add.f32.msk $0xffff, v1  }
.Ltmp5:
0x12a: {  	[tilespmem:s23+$0x1B710] =	vst.add.f32.msk $0xffff, v2;
	(pc) =	sbr.rel @p0 .LBB2_13-.Ltmp5, $4  }
0x12b: {  	[tilespmem:s23+$0x1B720] =	vst.add.f32.msk $0xffff, v3  }
0x12c: {  	[tilespmem:s23+$0x1B730] =	vst.add.f32.msk $0xffff, v4  }
0x12d: {  	[tilespmem:s23+$0x1B740] =	vst.add.f32.msk $0xffff, v5  }
0x12e: {  	s25 =	sadd.s32 $0x200, s25;
	[tilespmem:s23+$0x1B750] =	vst.add.f32.msk $0xffff, v6  }
0x12f: {  	[tilespmem:s23+$0x1B760] =	vst.add.f32.msk $0xffff, v0  }
0x130: {  	_ =	swait.ge [sflag:s16], $0x1000  }
0x131: {  	[sflag:s16] =	ssyncset.done $0x0  }
0x132: {  	s22 =	sadd.s32 s22, s9;
	[sflag:s16] =	ssyncadd.s32 $0xFFFFF000  }
0x133: {  	[tilespmem:s17], [sflag:$0x2] =	stream.strided.gather [hbm4b:s22+s12], $0x1000, s13, s12, $0x38;
	[tilespmem:$0x1E700] =	vst v63  }
0x134: {  	s22 =	simm.s32 $0x0  }
0x135: {  	v0 =	vld [tilespmem:s22+$0x18770]  }
0x136: {  	v1 =	vld [tilespmem:s22+$0x18700]  }
0x137: {  	v2 =	vld [tilespmem:s22+$0x18710]  }
0x138: {  	v3 =	vld [tilespmem:s22+$0x18720]  }
0x139: {  	v4 =	vld [tilespmem:s22+$0x18730]  }
0x13a: {  	v5 =	vld [tilespmem:s22+$0x18740]  }
0x13b: {  	v6 =	vld [tilespmem:s22+$0x18750]  }
0x13c: {  	v7 =	vld [tilespmem:s22+$0x18760]  }
0x13d: {  	v0 =	vld.idx.msk [tilespmem:v0+s4+$0x0], $0xffff  }
0x13e: {  	v1 =	vld.idx.msk [tilespmem:v1+s4+$0x0], $0xffff  }
0x13f: {  	v2 =	vld.idx.msk [tilespmem:v2+s4+$0x0], $0xffff  }
0x140: {  	v3 =	vld.idx.msk [tilespmem:v3+s4+$0x0], $0xffff  }
0x141: {  	v4 =	vld.idx.msk [tilespmem:v4+s4+$0x0], $0xffff  }
0x142: {  	v5 =	vld.idx.msk [tilespmem:v5+s4+$0x0], $0xffff  }
0x143: {  	v6 =	vld.idx.msk [tilespmem:v6+s4+$0x0], $0xffff  }
0x144: {  	[tilespmem:s22+$0x1C770] =	vst.add.f32.msk $0xffff, v0  }
0x145: {  	v0 =	vld.idx.msk [tilespmem:v7+s4+$0x0], $0xffff  }
0x146: {  	[tilespmem:s22+$0x1C700] =	vst.add.f32.msk $0xffff, v1  }
0x147: {  	[tilespmem:s22+$0x1C710] =	vst.add.f32.msk $0xffff, v2  }
0x148: {  	[tilespmem:s22+$0x1C720] =	vst.add.f32.msk $0xffff, v3  }
0x149: {  	[tilespmem:s22+$0x1C730] =	vst.add.f32.msk $0xffff, v4  }
0x14a: {  	[tilespmem:s22+$0x1C740] =	vst.add.f32.msk $0xffff, v5  }
0x14b: {  	s23 =	simm.s32 $0x0;
	s24 =	simm.s32 $0x200;
	[tilespmem:s22+$0x1C750] =	vst.add.f32.msk $0xffff, v6  }
.LBB2_15:
0x14c: {  	s23 =	sadd.s32 $0x8, s23;
	[tilespmem:s22+$0x1C760] =	vst.add.f32.msk $0xffff, v0;
	s22 =	sshra.s32 s24, $0x2  }
0x14d: {  	v0 =	vld [tilespmem:s22+$0x18770];
	p0 =	slt.u32 s23, $0xF8  }
0x14e: {  	v1 =	vld [tilespmem:s22+$0x18700]  }
0x14f: {  	v2 =	vld [tilespmem:s22+$0x18710]  }
0x150: {  	v3 =	vld [tilespmem:s22+$0x18720]  }
0x151: {  	v4 =	vld [tilespmem:s22+$0x18730]  }
0x152: {  	v5 =	vld [tilespmem:s22+$0x18740]  }
0x153: {  	v6 =	vld [tilespmem:s22+$0x18750]  }
0x154: {  	v7 =	vld [tilespmem:s22+$0x18760]  }
0x155: {  	v0 =	vld.idx.msk [tilespmem:v0+s4+$0x0], $0xffff  }
0x156: {  	v1 =	vld.idx.msk [tilespmem:v1+s4+$0x0], $0xffff  }
0x157: {  	v2 =	vld.idx.msk [tilespmem:v2+s4+$0x0], $0xffff  }
0x158: {  	v3 =	vld.idx.msk [tilespmem:v3+s4+$0x0], $0xffff  }
0x159: {  	v4 =	vld.idx.msk [tilespmem:v4+s4+$0x0], $0xffff  }
0x15a: {  	v5 =	vld.idx.msk [tilespmem:v5+s4+$0x0], $0xffff  }
0x15b: {  	[tilespmem:s22+$0x1C770] =	vst.add.f32.msk $0xffff, v0  }
0x15c: {  	v6 =	vld.idx.msk [tilespmem:v6+s4+$0x0], $0xffff  }
0x15d: {  	v0 =	vld.idx.msk [tilespmem:v7+s4+$0x0], $0xffff  }
0x15e: {  	[tilespmem:s22+$0x1C700] =	vst.add.f32.msk $0xffff, v1  }
.Ltmp6:
0x15f: {  	[tilespmem:s22+$0x1C710] =	vst.add.f32.msk $0xffff, v2;
	(pc) =	sbr.rel @p0 .LBB2_15-.Ltmp6, $4  }
0x160: {  	[tilespmem:s22+$0x1C720] =	vst.add.f32.msk $0xffff, v3  }
0x161: {  	[tilespmem:s22+$0x1C730] =	vst.add.f32.msk $0xffff, v4  }
0x162: {  	[tilespmem:s22+$0x1C740] =	vst.add.f32.msk $0xffff, v5  }
0x163: {  	s24 =	sadd.s32 $0x200, s24;
	[tilespmem:s22+$0x1C750] =	vst.add.f32.msk $0xffff, v6  }
0x164: {  	[tilespmem:s22+$0x1C760] =	vst.add.f32.msk $0xffff, v0  }
0x165: {  	_ =	swait.ge [sflag:s18], $0x1000  }
0x166: {  	[sflag:s18] =	ssyncset.done $0x0  }
0x167: {  	s22 =	simm.s32 $0x0;
	[sflag:s18] =	ssyncadd.s32 $0xFFFFF000  }
0x168: {  	v0 =	vld [tilespmem:s22+$0x19770]  }
0x169: {  	v1 =	vld [tilespmem:s22+$0x19700]  }
0x16a: {  	v2 =	vld [tilespmem:s22+$0x19710]  }
0x16b: {  	v3 =	vld [tilespmem:s22+$0x19720]  }
0x16c: {  	v4 =	vld [tilespmem:s22+$0x19730]  }
0x16d: {  	v5 =	vld [tilespmem:s22+$0x19740]  }
0x16e: {  	v6 =	vld [tilespmem:s22+$0x19750]  }
0x16f: {  	v7 =	vld [tilespmem:s22+$0x19760]  }
0x170: {  	v0 =	vld.idx.msk [tilespmem:v0+s4+$0x0], $0xffff  }
0x171: {  	v1 =	vld.idx.msk [tilespmem:v1+s4+$0x0], $0xffff  }
0x172: {  	v2 =	vld.idx.msk [tilespmem:v2+s4+$0x0], $0xffff  }
0x173: {  	v3 =	vld.idx.msk [tilespmem:v3+s4+$0x0], $0xffff  }
0x174: {  	v4 =	vld.idx.msk [tilespmem:v4+s4+$0x0], $0xffff  }
0x175: {  	v5 =	vld.idx.msk [tilespmem:v5+s4+$0x0], $0xffff  }
0x176: {  	v6 =	vld.idx.msk [tilespmem:v6+s4+$0x0], $0xffff  }
0x177: {  	[tilespmem:s22+$0x1D770] =	vst.add.f32.msk $0xffff, v0  }
0x178: {  	v0 =	vld.idx.msk [tilespmem:v7+s4+$0x0], $0xffff  }
0x179: {  	[tilespmem:s22+$0x1D700] =	vst.add.f32.msk $0xffff, v1  }
0x17a: {  	[tilespmem:s22+$0x1D710] =	vst.add.f32.msk $0xffff, v2  }
0x17b: {  	[tilespmem:s22+$0x1D720] =	vst.add.f32.msk $0xffff, v3  }
0x17c: {  	[tilespmem:s22+$0x1D730] =	vst.add.f32.msk $0xffff, v4  }
0x17d: {  	[tilespmem:s22+$0x1D740] =	vst.add.f32.msk $0xffff, v5  }
0x17e: {  	s23 =	simm.s32 $0x0;
	s24 =	simm.s32 $0x200;
	[tilespmem:s22+$0x1D750] =	vst.add.f32.msk $0xffff, v6  }
.LBB2_17:
0x17f: {  	s23 =	sadd.s32 $0x8, s23;
	[tilespmem:s22+$0x1D760] =	vst.add.f32.msk $0xffff, v0;
	s22 =	sshra.s32 s24, $0x2  }
0x180: {  	v0 =	vld [tilespmem:s22+$0x19770];
	p0 =	slt.u32 s23, $0xF8  }
0x181: {  	v1 =	vld [tilespmem:s22+$0x19700]  }
0x182: {  	v2 =	vld [tilespmem:s22+$0x19710]  }
0x183: {  	v3 =	vld [tilespmem:s22+$0x19720]  }
0x184: {  	v4 =	vld [tilespmem:s22+$0x19730]  }
0x185: {  	v5 =	vld [tilespmem:s22+$0x19740]  }
0x186: {  	v6 =	vld [tilespmem:s22+$0x19750]  }
0x187: {  	v7 =	vld [tilespmem:s22+$0x19760]  }
0x188: {  	v0 =	vld.idx.msk [tilespmem:v0+s4+$0x0], $0xffff  }
0x189: {  	v1 =	vld.idx.msk [tilespmem:v1+s4+$0x0], $0xffff  }
0x18a: {  	v2 =	vld.idx.msk [tilespmem:v2+s4+$0x0], $0xffff  }
0x18b: {  	v3 =	vld.idx.msk [tilespmem:v3+s4+$0x0], $0xffff  }
0x18c: {  	v4 =	vld.idx.msk [tilespmem:v4+s4+$0x0], $0xffff  }
0x18d: {  	v5 =	vld.idx.msk [tilespmem:v5+s4+$0x0], $0xffff  }
0x18e: {  	[tilespmem:s22+$0x1D770] =	vst.add.f32.msk $0xffff, v0  }
0x18f: {  	v6 =	vld.idx.msk [tilespmem:v6+s4+$0x0], $0xffff  }
0x190: {  	v0 =	vld.idx.msk [tilespmem:v7+s4+$0x0], $0xffff  }
0x191: {  	[tilespmem:s22+$0x1D700] =	vst.add.f32.msk $0xffff, v1  }
.Ltmp7:
0x192: {  	[tilespmem:s22+$0x1D710] =	vst.add.f32.msk $0xffff, v2;
	(pc) =	sbr.rel @p0 .LBB2_17-.Ltmp7, $4  }
0x193: {  	[tilespmem:s22+$0x1D720] =	vst.add.f32.msk $0xffff, v3  }
0x194: {  	[tilespmem:s22+$0x1D730] =	vst.add.f32.msk $0xffff, v4  }
0x195: {  	[tilespmem:s22+$0x1D740] =	vst.add.f32.msk $0xffff, v5  }
0x196: {  	s24 =	sadd.s32 $0x200, s24;
	[tilespmem:s22+$0x1D750] =	vst.add.f32.msk $0xffff, v6  }
0x197: {  	s21 =	sadd.s32 $0x1, s21  }
0x198: {  	p0 =	sne.s32 s21, $0x1A  }
.Ltmp8:
0x199: {  	_ = 	snop;
	(pc) =	sbr.rel @p0 .LBB2_10-.Ltmp8, $2  }
0x19a: {  	_ =	sdelay $0x2  }
0x19b: {  	[tilespmem:s22+$0x1D760] =	vst.add.f32.msk $0xffff, v0  }
0x19c: {  	s20 =	sadd.s32 $0x1, s20  }
0x19d: {  	p0 =	sne.s32 s20, s11  }
.Ltmp9:
0x19e: {  	_ = 	snop;
	(pc) =	sbr.rel @p0 .LBB2_1-.Ltmp9, $4  }
0x19f: {  	[hbm4b:s10+s12] =	stream.strided.scatter [tilespmem:s19], [sflag:$0x3], $0x4000, s13, s12, $0x38;
	[tilespmem:$0x1E700] =	vst v63  }
0x1a0: {  	_ =	swait.ge [sflag:s15], $0x4000  }
0x1a1: {  	[sflag:s15] =	ssyncset.done $0x0  }
0x1a2: {  	[sflag:s15] =	ssyncadd.s32 $0xFFFFC000  }
0x1a3: {  	_ =	sfence.sel $0x180000  }
0x1a4: {  	[bflag:$0x0] =	sbarrier.arrive $0xFFFF  }
0x1a5: {  	p0 =	sne.s32 s3, $0x0;
	_ =	strace $0x90000047  }
0x1a6: {  	s0 =	sadd.s32 @!p0 $0x100000, s0;
	[bflag:$0x2] =	sbarrier.arrive $0xFFFF  }
0x1a7: {  	[sflag:s0] =	ssyncadd.tile.s32 @!p0 $0x1;
	_ =	shalt  }
.Lfunc_end2:
_tile_overlayer_lowered:
.L_overlay_start_2:
0x1a8: {  	(tag) =	ssettag $0x2  }
0x1a9: {  	s0 =	rddreg [dreg:$0x0];
	s2 =	stileid.u32  }
0x1aa: {  	s1 =	rddreg [dreg:$0x1];
	p0 =	sne.s32 s2, $0x0  }
0x1ab: {  	s3 =	rddreg [dreg:$0x2];
	[bflag:$0x3] =	sbarrier.arrive $0xFFFF;
	s2 =	simm.s32 @!p0 $0x1C03  }
0x1ac: {  	[timem:s3], [sflag:s2] =	dma.local @!p0 [hbm:s0], s1  }
0x1ad: {  	s0 =	simm.s32 @!p0 $0x3  }
0x1ae: {  	_ =	swait.ge @!p0 [sflag:s0], s1  }
0x1af: {  	s1 =	ssub.s32 @!p0 $0x0, s1;
	[sflag:s0] =	ssyncset.done @!p0 $0x0  }
0x1b0: {  	[sflag:s0] =	ssyncadd.s32 @!p0 s1  }
0x1b1: {  	[bflag:$0x3] =	sbarrier.arrive $0xFFFF  }
0x1b2: {  	_ =	shalt  }

</sc_bundles>
